<compile_context>
chip_gen: v7x
topology: tpu7x:2x2x1
jax: 0.10.2.dev20260603
libtpu: 0.0.44.dev20260713+nightly
codegen_flags: <defaults>
</compile_context>

<pallas_src>
import functools

import jax
import jax.numpy as jnp
from jax import lax
from jax.experimental import pallas as pl
from jax.experimental.pallas import tpu as pltpu
from jax.experimental.pallas import tpu_sc as plsc

_VOCAB = 1000000
_EMBED_DIM = 64
_BATCH = 16384

_INFO = plsc.get_sparse_core_info()
_NC, _NS, _L = _INFO.num_cores, _INFO.num_subcores, _INFO.num_lanes
_NW = _NC * _NS
_BPW = _BATCH // _NW
_CHUNK = 128
_NCHUNK = _BPW // _CHUNK


def _sc_body(tgt_hbm, ctx_hbm, table_hbm, out_hbm,
             idx_t, idx_c, rows_t, rows_c, out_v, sem):
    wid = lax.axis_index("s") * _NC + lax.axis_index("c")
    row0 = wid * _NCHUNK

    pltpu.sync_copy(tgt_hbm.at[pl.ds(row0, _NCHUNK)], idx_t)
    pltpu.sync_copy(ctx_hbm.at[pl.ds(row0, _NCHUNK)], idx_c)

    copies = []
    for j in range(_NCHUNK):
        copies.append(pltpu.async_copy(
            table_hbm.at[idx_t.at[j]],
            rows_t.at[pl.ds(j * _CHUNK, _CHUNK)], sem))
        copies.append(pltpu.async_copy(
            table_hbm.at[idx_c.at[j]],
            rows_c.at[pl.ds(j * _CHUNK, _CHUNK)], sem))
    for c in copies:
        c.wait()

    lane = lax.iota(jnp.int32, _L)

    def body(g, carry):
        row_ids = g * _L + lane
        acc = jnp.zeros((_L,), jnp.float32)
        for d in range(_EMBED_DIM):
            dim_ids = jnp.full((_L,), d, jnp.int32)
            t = plsc.load_gather(rows_t, [row_ids, dim_ids])
            c = plsc.load_gather(rows_c, [row_ids, dim_ids])
            acc = acc + t * c
        e = jnp.exp(-jnp.abs(acc))
        r = 1.0 / (1.0 + e)
        sig = jnp.where(acc >= 0, r, e * r)
        out_v[pl.ds(g * _L, _L)] = sig
        return carry

    lax.fori_loop(0, _BPW // _L, body, 0)

    pltpu.sync_copy(out_v, out_hbm.at[pl.ds(wid * _BPW, _BPW)])


@jax.jit
def _run(target_i, context_j, shared_embedding):
    mesh = plsc.VectorSubcoreMesh(core_axis_name="c", subcore_axis_name="s")
    tgt2d = target_i.reshape(_NW * _NCHUNK, _CHUNK)
    ctx2d = context_j.reshape(_NW * _NCHUNK, _CHUNK)
    kern = functools.partial(
        pl.kernel,
        out_type=jax.ShapeDtypeStruct((_BATCH,), jnp.float32),
        mesh=mesh,
        scratch_types=[
            pltpu.VMEM((_NCHUNK, _CHUNK), jnp.int32),
            pltpu.VMEM((_NCHUNK, _CHUNK), jnp.int32),
            pltpu.VMEM((_BPW, _EMBED_DIM), jnp.float32),
            pltpu.VMEM((_BPW, _EMBED_DIM), jnp.float32),
            pltpu.VMEM((_BPW,), jnp.float32),
            pltpu.SemaphoreType.DMA,
        ],
        compiler_params=pltpu.CompilerParams(
            needs_layout_passes=False, use_tc_tiling_on_sc=False),
    )(_sc_body)
    return kern(tgt2d, ctx2d, shared_embedding)


def kernel(target_i, context_j, shared_embedding):
    return _run(target_i.astype(jnp.int32), context_j.astype(jnp.int32),
                shared_embedding)

# --- scband reference (transcript-rebuilt; emitter-appended) ---
"""Pipeline reference for scband-item2-vec-38568806318491 (READ-ONLY COPY).

The authoritative reference and input builder live on the scoring server;
editing this copy changes nothing except your own understanding.
"""

import jax, jax.numpy as jnp
import numpy as np

VOCAB = 1000000
EMBED_DIM = 64
BATCH = 16384

def setup_inputs(seed: int = 0) -> dict:
    key = jax.random.key(seed)
    k1, k2, k3 = jax.random.split(key, 3)
    target_i = jax.random.randint(k1, (BATCH,), 0, VOCAB, dtype=jnp.int64 if jax.config.jax_enable_x64 else jnp.int32)
    context_j = jax.random.randint(k2, (BATCH,), 0, VOCAB, dtype=jnp.int64 if jax.config.jax_enable_x64 else jnp.int32)
    shared_embedding = jax.random.normal(k3, (VOCAB, EMBED_DIM), dtype=jnp.float32) * 0.02
    return {"target_i": target_i, "context_j": context_j, "shared_embedding": shared_embedding}

def reference(target_i, context_j, shared_embedding):
    # target_emb = self.shared_embedding(target_i)
    target_emb = jnp.take(shared_embedding, target_i, axis=0)
    # context_emb = self.shared_embedding(context_j)
    context_emb = jnp.take(shared_embedding, context_j, axis=0)
    # output = torch.sum(target_emb * context_emb, dim=1)
    output = jnp.sum(target_emb * context_emb, axis=1)
    # output = self.out_act(output)  # sigmoid
    output = jax.nn.sigmoid(output)
    return output.reshape(-1)

if __name__ == "__main__":
    import jax
    _d = setup_inputs()
    print(jax.jit(kernel)(*tuple(_d.values())))

</pallas_src>

<mosaic_0001>
#map = affine_map<(d0, d1) -> (0, 0)>
#map1 = affine_map<(d0, d1) -> (0)>
module attributes {stable_mosaic.version = 14 : i64} {
  func.func @_sc_body(%arg0: i32, %arg1: i32, %arg2: memref<128x128xi32, #tpu.memory_space<hbm>>, %arg3: memref<128x128xi32, #tpu.memory_space<hbm>>, %arg4: memref<1000000x64xf32, #tpu.memory_space<hbm>>, %arg5: memref<16384xf32, #tpu.memory_space<hbm>>, %arg6: memref<4x128xi32, #tpu.memory_space<vmem>>, %arg7: memref<4x128xi32, #tpu.memory_space<vmem>>, %arg8: memref<512x64xf32, #tpu.memory_space<vmem>>, %arg9: memref<512x64xf32, #tpu.memory_space<vmem>>, %arg10: memref<512xf32, #tpu.memory_space<vmem>>, %arg11: memref<!tpu.dma_semaphore, #tpu.memory_space<semaphore_mem>>) attributes {dimension_semantics = [#tpu.dimension_semantics<core_parallel>, #tpu.dimension_semantics<subcore_parallel>], iteration_bounds = array<i64: 2, 16>, scalar_prefetch = 0 : i64, scratch_operands = 6 : i64, tpu.core_type = #tpu.core_type<sc_vector_subcore>, window_params = [{transform_indices = #map}, {transform_indices = #map}, {transform_indices = #map}, {transform_indices = #map1}]} {
    %mul3A = arith.constant 2 : i32
    %mul3A_0 = arith.muli %arg1, %mul3A : i32
    %add3A = arith.addi %mul3A_0, %arg0 : i32
    %mul3A_1 = arith.constant 4 : i32
    %mul3A_2 = arith.muli %add3A, %mul3A_1 : i32
    "tpu.region"() ({
      %run_scoped3A = tpu.sem_alloc : memref<!tpu.dma_semaphore, #tpu.memory_space<semaphore_mem>>
      %dma_start3A_168 = arith.constant 0 : i32
      %dma_start3A_169 = tpu.memref_slice %arg2[%mul3A_2, %dma_start3A_168] : memref<128x128xi32, #tpu.memory_space<hbm>> -> memref<4x128xi32, #tpu.memory_space<hbm>>
      %dma_start3A_170 = arith.constant 0 : i32
      %dma_start3A_171 = tpu.memref_slice %arg2[%mul3A_2, %dma_start3A_170] : memref<128x128xi32, #tpu.memory_space<hbm>> -> memref<4x128xi32, #tpu.memory_space<hbm>>
      tpu.enqueue_dma source(%dma_start3A_171 : memref<4x128xi32, #tpu.memory_space<hbm>>) target(%arg6 : memref<4x128xi32, #tpu.memory_space<vmem>>) target_semaphore(%run_scoped3A : memref<!tpu.dma_semaphore, #tpu.memory_space<semaphore_mem>>)
      %dma_wait3A_172 = arith.constant 0 : i32
      %dma_wait3A_173 = tpu.memref_slice %arg2[%mul3A_2, %dma_wait3A_172] : memref<128x128xi32, #tpu.memory_space<hbm>> -> memref<4x128xi32, #tpu.memory_space<hbm>>
      %dma_wait3A_174 = arith.constant 0 : i32
      %dma_wait3A_175 = tpu.memref_slice %arg2[%mul3A_2, %dma_wait3A_174] : memref<128x128xi32, #tpu.memory_space<hbm>> -> memref<4x128xi32, #tpu.memory_space<hbm>>
      tpu.wait_dma2 semaphore(%run_scoped3A : memref<!tpu.dma_semaphore, #tpu.memory_space<semaphore_mem>>) src(%dma_wait3A_175 : memref<4x128xi32, #tpu.memory_space<hbm>>) dst(%arg6 : memref<4x128xi32, #tpu.memory_space<vmem>>)
      tpu.yield
    }) : () -> ()
    "tpu.region"() ({
      %run_scoped3A = tpu.sem_alloc : memref<!tpu.dma_semaphore, #tpu.memory_space<semaphore_mem>>
      %dma_start3A_168 = arith.constant 0 : i32
      %dma_start3A_169 = tpu.memref_slice %arg3[%mul3A_2, %dma_start3A_168] : memref<128x128xi32, #tpu.memory_space<hbm>> -> memref<4x128xi32, #tpu.memory_space<hbm>>
      %dma_start3A_170 = arith.constant 0 : i32
      %dma_start3A_171 = tpu.memref_slice %arg3[%mul3A_2, %dma_start3A_170] : memref<128x128xi32, #tpu.memory_space<hbm>> -> memref<4x128xi32, #tpu.memory_space<hbm>>
      tpu.enqueue_dma source(%dma_start3A_171 : memref<4x128xi32, #tpu.memory_space<hbm>>) target(%arg7 : memref<4x128xi32, #tpu.memory_space<vmem>>) target_semaphore(%run_scoped3A : memref<!tpu.dma_semaphore, #tpu.memory_space<semaphore_mem>>)
      %dma_wait3A_172 = arith.constant 0 : i32
      %dma_wait3A_173 = tpu.memref_slice %arg3[%mul3A_2, %dma_wait3A_172] : memref<128x128xi32, #tpu.memory_space<hbm>> -> memref<4x128xi32, #tpu.memory_space<hbm>>
      %dma_wait3A_174 = arith.constant 0 : i32
      %dma_wait3A_175 = tpu.memref_slice %arg3[%mul3A_2, %dma_wait3A_174] : memref<128x128xi32, #tpu.memory_space<hbm>> -> memref<4x128xi32, #tpu.memory_space<hbm>>
      tpu.wait_dma2 semaphore(%run_scoped3A : memref<!tpu.dma_semaphore, #tpu.memory_space<semaphore_mem>>) src(%dma_wait3A_175 : memref<4x128xi32, #tpu.memory_space<hbm>>) dst(%arg7 : memref<4x128xi32, #tpu.memory_space<vmem>>)
      tpu.yield
    }) : () -> ()
    %dma_start3A = arith.constant 0 : i32
    %dma_start3A_3 = arith.constant 0 : i32
    %dma_start3A_4 = arith.constant 0 : i32
    %dma_start3A_5 = tpu.memref_slice %arg8[%dma_start3A_3, %dma_start3A_4] : memref<512x64xf32, #tpu.memory_space<vmem>> -> memref<128x64xf32, #tpu.memory_space<vmem>>
    %dma_start3A_6 = arith.constant 0 : i32
    %dma_start3A_7 = tpu.memref_slice %arg6[%dma_start3A, %dma_start3A_6] : memref<4x128xi32, #tpu.memory_space<vmem>> -> memref<1x128xi32, #tpu.memory_space<vmem>>
    %dma_start3A_8 = tpu.memref_squeeze %dma_start3A_7 : memref<1x128xi32, #tpu.memory_space<vmem>> -> memref<128xi32, #tpu.memory_space<vmem>>
    %dma_start3A_9 = arith.constant 0 : i32
    %dma_start3A_10 = arith.constant 0 : i32
    %dma_start3A_11 = tpu.memref_slice %arg4[%dma_start3A_9, %dma_start3A_10] : memref<1000000x64xf32, #tpu.memory_space<hbm>> -> memref<1000000x64xf32, #tpu.memory_space<hbm>>
    tpu.enqueue_indirect_dma source(%dma_start3A_11 : memref<1000000x64xf32, #tpu.memory_space<hbm>>) target(%dma_start3A_5 : memref<128x64xf32, #tpu.memory_space<vmem>>) offsets(%dma_start3A_8 : memref<128xi32, #tpu.memory_space<vmem>>) semaphore(%arg11 : memref<!tpu.dma_semaphore, #tpu.memory_space<semaphore_mem>>)
    %dma_start3A_12 = arith.constant 0 : i32
    %dma_start3A_13 = arith.constant 0 : i32
    %dma_start3A_14 = arith.constant 0 : i32
    %dma_start3A_15 = tpu.memref_slice %arg9[%dma_start3A_13, %dma_start3A_14] : memref<512x64xf32, #tpu.memory_space<vmem>> -> memref<128x64xf32, #tpu.memory_space<vmem>>
    %dma_start3A_16 = arith.constant 0 : i32
    %dma_start3A_17 = tpu.memref_slice %arg7[%dma_start3A_12, %dma_start3A_16] : memref<4x128xi32, #tpu.memory_space<vmem>> -> memref<1x128xi32, #tpu.memory_space<vmem>>
    %dma_start3A_18 = tpu.memref_squeeze %dma_start3A_17 : memref<1x128xi32, #tpu.memory_space<vmem>> -> memref<128xi32, #tpu.memory_space<vmem>>
    %dma_start3A_19 = arith.constant 0 : i32
    %dma_start3A_20 = arith.constant 0 : i32
    %dma_start3A_21 = tpu.memref_slice %arg4[%dma_start3A_19, %dma_start3A_20] : memref<1000000x64xf32, #tpu.memory_space<hbm>> -> memref<1000000x64xf32, #tpu.memory_space<hbm>>
    tpu.enqueue_indirect_dma source(%dma_start3A_21 : memref<1000000x64xf32, #tpu.memory_space<hbm>>) target(%dma_start3A_15 : memref<128x64xf32, #tpu.memory_space<vmem>>) offsets(%dma_start3A_18 : memref<128xi32, #tpu.memory_space<vmem>>) semaphore(%arg11 : memref<!tpu.dma_semaphore, #tpu.memory_space<semaphore_mem>>)
    %dma_start3A_22 = arith.constant 1 : i32
    %dma_start3A_23 = arith.constant 128 : i32
    %dma_start3A_24 = arith.constant 0 : i32
    %dma_start3A_25 = tpu.memref_slice %arg8[%dma_start3A_23, %dma_start3A_24] : memref<512x64xf32, #tpu.memory_space<vmem>> -> memref<128x64xf32, #tpu.memory_space<vmem>>
    %dma_start3A_26 = arith.constant 0 : i32
    %dma_start3A_27 = tpu.memref_slice %arg6[%dma_start3A_22, %dma_start3A_26] : memref<4x128xi32, #tpu.memory_space<vmem>> -> memref<1x128xi32, #tpu.memory_space<vmem>>
    %dma_start3A_28 = tpu.memref_squeeze %dma_start3A_27 : memref<1x128xi32, #tpu.memory_space<vmem>> -> memref<128xi32, #tpu.memory_space<vmem>>
    %dma_start3A_29 = arith.constant 0 : i32
    %dma_start3A_30 = arith.constant 0 : i32
    %dma_start3A_31 = tpu.memref_slice %arg4[%dma_start3A_29, %dma_start3A_30] : memref<1000000x64xf32, #tpu.memory_space<hbm>> -> memref<1000000x64xf32, #tpu.memory_space<hbm>>
    tpu.enqueue_indirect_dma source(%dma_start3A_31 : memref<1000000x64xf32, #tpu.memory_space<hbm>>) target(%dma_start3A_25 : memref<128x64xf32, #tpu.memory_space<vmem>>) offsets(%dma_start3A_28 : memref<128xi32, #tpu.memory_space<vmem>>) semaphore(%arg11 : memref<!tpu.dma_semaphore, #tpu.memory_space<semaphore_mem>>)
    %dma_start3A_32 = arith.constant 1 : i32
    %dma_start3A_33 = arith.constant 128 : i32
    %dma_start3A_34 = arith.constant 0 : i32
    %dma_start3A_35 = tpu.memref_slice %arg9[%dma_start3A_33, %dma_start3A_34] : memref<512x64xf32, #tpu.memory_space<vmem>> -> memref<128x64xf32, #tpu.memory_space<vmem>>
    %dma_start3A_36 = arith.constant 0 : i32
    %dma_start3A_37 = tpu.memref_slice %arg7[%dma_start3A_32, %dma_start3A_36] : memref<4x128xi32, #tpu.memory_space<vmem>> -> memref<1x128xi32, #tpu.memory_space<vmem>>
    %dma_start3A_38 = tpu.memref_squeeze %dma_start3A_37 : memref<1x128xi32, #tpu.memory_space<vmem>> -> memref<128xi32, #tpu.memory_space<vmem>>
    %dma_start3A_39 = arith.constant 0 : i32
    %dma_start3A_40 = arith.constant 0 : i32
    %dma_start3A_41 = tpu.memref_slice %arg4[%dma_start3A_39, %dma_start3A_40] : memref<1000000x64xf32, #tpu.memory_space<hbm>> -> memref<1000000x64xf32, #tpu.memory_space<hbm>>
    tpu.enqueue_indirect_dma source(%dma_start3A_41 : memref<1000000x64xf32, #tpu.memory_space<hbm>>) target(%dma_start3A_35 : memref<128x64xf32, #tpu.memory_space<vmem>>) offsets(%dma_start3A_38 : memref<128xi32, #tpu.memory_space<vmem>>) semaphore(%arg11 : memref<!tpu.dma_semaphore, #tpu.memory_space<semaphore_mem>>)
    %dma_start3A_42 = arith.constant 2 : i32
    %dma_start3A_43 = arith.constant 256 : i32
    %dma_start3A_44 = arith.constant 0 : i32
    %dma_start3A_45 = tpu.memref_slice %arg8[%dma_start3A_43, %dma_start3A_44] : memref<512x64xf32, #tpu.memory_space<vmem>> -> memref<128x64xf32, #tpu.memory_space<vmem>>
    %dma_start3A_46 = arith.constant 0 : i32
    %dma_start3A_47 = tpu.memref_slice %arg6[%dma_start3A_42, %dma_start3A_46] : memref<4x128xi32, #tpu.memory_space<vmem>> -> memref<1x128xi32, #tpu.memory_space<vmem>>
    %dma_start3A_48 = tpu.memref_squeeze %dma_start3A_47 : memref<1x128xi32, #tpu.memory_space<vmem>> -> memref<128xi32, #tpu.memory_space<vmem>>
    %dma_start3A_49 = arith.constant 0 : i32
    %dma_start3A_50 = arith.constant 0 : i32
    %dma_start3A_51 = tpu.memref_slice %arg4[%dma_start3A_49, %dma_start3A_50] : memref<1000000x64xf32, #tpu.memory_space<hbm>> -> memref<1000000x64xf32, #tpu.memory_space<hbm>>
    tpu.enqueue_indirect_dma source(%dma_start3A_51 : memref<1000000x64xf32, #tpu.memory_space<hbm>>) target(%dma_start3A_45 : memref<128x64xf32, #tpu.memory_space<vmem>>) offsets(%dma_start3A_48 : memref<128xi32, #tpu.memory_space<vmem>>) semaphore(%arg11 : memref<!tpu.dma_semaphore, #tpu.memory_space<semaphore_mem>>)
    %dma_start3A_52 = arith.constant 2 : i32
    %dma_start3A_53 = arith.constant 256 : i32
    %dma_start3A_54 = arith.constant 0 : i32
    %dma_start3A_55 = tpu.memref_slice %arg9[%dma_start3A_53, %dma_start3A_54] : memref<512x64xf32, #tpu.memory_space<vmem>> -> memref<128x64xf32, #tpu.memory_space<vmem>>
    %dma_start3A_56 = arith.constant 0 : i32
    %dma_start3A_57 = tpu.memref_slice %arg7[%dma_start3A_52, %dma_start3A_56] : memref<4x128xi32, #tpu.memory_space<vmem>> -> memref<1x128xi32, #tpu.memory_space<vmem>>
    %dma_start3A_58 = tpu.memref_squeeze %dma_start3A_57 : memref<1x128xi32, #tpu.memory_space<vmem>> -> memref<128xi32, #tpu.memory_space<vmem>>
    %dma_start3A_59 = arith.constant 0 : i32
    %dma_start3A_60 = arith.constant 0 : i32
    %dma_start3A_61 = tpu.memref_slice %arg4[%dma_start3A_59, %dma_start3A_60] : memref<1000000x64xf32, #tpu.memory_space<hbm>> -> memref<1000000x64xf32, #tpu.memory_space<hbm>>
    tpu.enqueue_indirect_dma source(%dma_start3A_61 : memref<1000000x64xf32, #tpu.memory_space<hbm>>) target(%dma_start3A_55 : memref<128x64xf32, #tpu.memory_space<vmem>>) offsets(%dma_start3A_58 : memref<128xi32, #tpu.memory_space<vmem>>) semaphore(%arg11 : memref<!tpu.dma_semaphore, #tpu.memory_space<semaphore_mem>>)
    %dma_start3A_62 = arith.constant 3 : i32
    %dma_start3A_63 = arith.constant 384 : i32
    %dma_start3A_64 = arith.constant 0 : i32
    %dma_start3A_65 = tpu.memref_slice %arg8[%dma_start3A_63, %dma_start3A_64] : memref<512x64xf32, #tpu.memory_space<vmem>> -> memref<128x64xf32, #tpu.memory_space<vmem>>
    %dma_start3A_66 = arith.constant 0 : i32
    %dma_start3A_67 = tpu.memref_slice %arg6[%dma_start3A_62, %dma_start3A_66] : memref<4x128xi32, #tpu.memory_space<vmem>> -> memref<1x128xi32, #tpu.memory_space<vmem>>
    %dma_start3A_68 = tpu.memref_squeeze %dma_start3A_67 : memref<1x128xi32, #tpu.memory_space<vmem>> -> memref<128xi32, #tpu.memory_space<vmem>>
    %dma_start3A_69 = arith.constant 0 : i32
    %dma_start3A_70 = arith.constant 0 : i32
    %dma_start3A_71 = tpu.memref_slice %arg4[%dma_start3A_69, %dma_start3A_70] : memref<1000000x64xf32, #tpu.memory_space<hbm>> -> memref<1000000x64xf32, #tpu.memory_space<hbm>>
    tpu.enqueue_indirect_dma source(%dma_start3A_71 : memref<1000000x64xf32, #tpu.memory_space<hbm>>) target(%dma_start3A_65 : memref<128x64xf32, #tpu.memory_space<vmem>>) offsets(%dma_start3A_68 : memref<128xi32, #tpu.memory_space<vmem>>) semaphore(%arg11 : memref<!tpu.dma_semaphore, #tpu.memory_space<semaphore_mem>>)
    %dma_start3A_72 = arith.constant 3 : i32
    %dma_start3A_73 = arith.constant 384 : i32
    %dma_start3A_74 = arith.constant 0 : i32
    %dma_start3A_75 = tpu.memref_slice %arg9[%dma_start3A_73, %dma_start3A_74] : memref<512x64xf32, #tpu.memory_space<vmem>> -> memref<128x64xf32, #tpu.memory_space<vmem>>
    %dma_start3A_76 = arith.constant 0 : i32
    %dma_start3A_77 = tpu.memref_slice %arg7[%dma_start3A_72, %dma_start3A_76] : memref<4x128xi32, #tpu.memory_space<vmem>> -> memref<1x128xi32, #tpu.memory_space<vmem>>
    %dma_start3A_78 = tpu.memref_squeeze %dma_start3A_77 : memref<1x128xi32, #tpu.memory_space<vmem>> -> memref<128xi32, #tpu.memory_space<vmem>>
    %dma_start3A_79 = arith.constant 0 : i32
    %dma_start3A_80 = arith.constant 0 : i32
    %dma_start3A_81 = tpu.memref_slice %arg4[%dma_start3A_79, %dma_start3A_80] : memref<1000000x64xf32, #tpu.memory_space<hbm>> -> memref<1000000x64xf32, #tpu.memory_space<hbm>>
    tpu.enqueue_indirect_dma source(%dma_start3A_81 : memref<1000000x64xf32, #tpu.memory_space<hbm>>) target(%dma_start3A_75 : memref<128x64xf32, #tpu.memory_space<vmem>>) offsets(%dma_start3A_78 : memref<128xi32, #tpu.memory_space<vmem>>) semaphore(%arg11 : memref<!tpu.dma_semaphore, #tpu.memory_space<semaphore_mem>>)
    %dma_wait3A = arith.constant 0 : i32
    %dma_wait3A_82 = arith.constant 0 : i32
    %dma_wait3A_83 = arith.constant 0 : i32
    %dma_wait3A_84 = tpu.memref_slice %arg8[%dma_wait3A_82, %dma_wait3A_83] : memref<512x64xf32, #tpu.memory_space<vmem>> -> memref<128x64xf32, #tpu.memory_space<vmem>>
    %dma_wait3A_85 = arith.constant 0 : i32
    %dma_wait3A_86 = tpu.memref_slice %arg6[%dma_wait3A, %dma_wait3A_85] : memref<4x128xi32, #tpu.memory_space<vmem>> -> memref<1x128xi32, #tpu.memory_space<vmem>>
    %dma_wait3A_87 = tpu.memref_squeeze %dma_wait3A_86 : memref<1x128xi32, #tpu.memory_space<vmem>> -> memref<128xi32, #tpu.memory_space<vmem>>
    %dma_wait3A_88 = arith.constant 0 : i32
    %dma_wait3A_89 = arith.constant 0 : i32
    %dma_wait3A_90 = tpu.memref_slice %arg4[%dma_wait3A_88, %dma_wait3A_89] : memref<1000000x64xf32, #tpu.memory_space<hbm>> -> memref<1000000x64xf32, #tpu.memory_space<hbm>>
    tpu.wait_indirect_dma semaphore(%arg11 : memref<!tpu.dma_semaphore, #tpu.memory_space<semaphore_mem>>) src(%dma_wait3A_90 : memref<1000000x64xf32, #tpu.memory_space<hbm>>) dst(%dma_wait3A_84 : memref<128x64xf32, #tpu.memory_space<vmem>>)
    %dma_wait3A_91 = arith.constant 0 : i32
    %dma_wait3A_92 = arith.constant 0 : i32
    %dma_wait3A_93 = arith.constant 0 : i32
    %dma_wait3A_94 = tpu.memref_slice %arg9[%dma_wait3A_92, %dma_wait3A_93] : memref<512x64xf32, #tpu.memory_space<vmem>> -> memref<128x64xf32, #tpu.memory_space<vmem>>
    %dma_wait3A_95 = arith.constant 0 : i32
    %dma_wait3A_96 = tpu.memref_slice %arg7[%dma_wait3A_91, %dma_wait3A_95] : memref<4x128xi32, #tpu.memory_space<vmem>> -> memref<1x128xi32, #tpu.memory_space<vmem>>
    %dma_wait3A_97 = tpu.memref_squeeze %dma_wait3A_96 : memref<1x128xi32, #tpu.memory_space<vmem>> -> memref<128xi32, #tpu.memory_space<vmem>>
    %dma_wait3A_98 = arith.constant 0 : i32
    %dma_wait3A_99 = arith.constant 0 : i32
    %dma_wait3A_100 = tpu.memref_slice %arg4[%dma_wait3A_98, %dma_wait3A_99] : memref<1000000x64xf32, #tpu.memory_space<hbm>> -> memref<1000000x64xf32, #tpu.memory_space<hbm>>
    tpu.wait_indirect_dma semaphore(%arg11 : memref<!tpu.dma_semaphore, #tpu.memory_space<semaphore_mem>>) src(%dma_wait3A_100 : memref<1000000x64xf32, #tpu.memory_space<hbm>>) dst(%dma_wait3A_94 : memref<128x64xf32, #tpu.memory_space<vmem>>)
    %dma_wait3A_101 = arith.constant 1 : i32
    %dma_wait3A_102 = arith.constant 128 : i32
    %dma_wait3A_103 = arith.constant 0 : i32
    %dma_wait3A_104 = tpu.memref_slice %arg8[%dma_wait3A_102, %dma_wait3A_103] : memref<512x64xf32, #tpu.memory_space<vmem>> -> memref<128x64xf32, #tpu.memory_space<vmem>>
    %dma_wait3A_105 = arith.constant 0 : i32
    %dma_wait3A_106 = tpu.memref_slice %arg6[%dma_wait3A_101, %dma_wait3A_105] : memref<4x128xi32, #tpu.memory_space<vmem>> -> memref<1x128xi32, #tpu.memory_space<vmem>>
    %dma_wait3A_107 = tpu.memref_squeeze %dma_wait3A_106 : memref<1x128xi32, #tpu.memory_space<vmem>> -> memref<128xi32, #tpu.memory_space<vmem>>
    %dma_wait3A_108 = arith.constant 0 : i32
    %dma_wait3A_109 = arith.constant 0 : i32
    %dma_wait3A_110 = tpu.memref_slice %arg4[%dma_wait3A_108, %dma_wait3A_109] : memref<1000000x64xf32, #tpu.memory_space<hbm>> -> memref<1000000x64xf32, #tpu.memory_space<hbm>>
    tpu.wait_indirect_dma semaphore(%arg11 : memref<!tpu.dma_semaphore, #tpu.memory_space<semaphore_mem>>) src(%dma_wait3A_110 : memref<1000000x64xf32, #tpu.memory_space<hbm>>) dst(%dma_wait3A_104 : memref<128x64xf32, #tpu.memory_space<vmem>>)
    %dma_wait3A_111 = arith.constant 1 : i32
    %dma_wait3A_112 = arith.constant 128 : i32
    %dma_wait3A_113 = arith.constant 0 : i32
    %dma_wait3A_114 = tpu.memref_slice %arg9[%dma_wait3A_112, %dma_wait3A_113] : memref<512x64xf32, #tpu.memory_space<vmem>> -> memref<128x64xf32, #tpu.memory_space<vmem>>
    %dma_wait3A_115 = arith.constant 0 : i32
    %dma_wait3A_116 = tpu.memref_slice %arg7[%dma_wait3A_111, %dma_wait3A_115] : memref<4x128xi32, #tpu.memory_space<vmem>> -> memref<1x128xi32, #tpu.memory_space<vmem>>
    %dma_wait3A_117 = tpu.memref_squeeze %dma_wait3A_116 : memref<1x128xi32, #tpu.memory_space<vmem>> -> memref<128xi32, #tpu.memory_space<vmem>>
    %dma_wait3A_118 = arith.constant 0 : i32
    %dma_wait3A_119 = arith.constant 0 : i32
    %dma_wait3A_120 = tpu.memref_slice %arg4[%dma_wait3A_118, %dma_wait3A_119] : memref<1000000x64xf32, #tpu.memory_space<hbm>> -> memref<1000000x64xf32, #tpu.memory_space<hbm>>
    tpu.wait_indirect_dma semaphore(%arg11 : memref<!tpu.dma_semaphore, #tpu.memory_space<semaphore_mem>>) src(%dma_wait3A_120 : memref<1000000x64xf32, #tpu.memory_space<hbm>>) dst(%dma_wait3A_114 : memref<128x64xf32, #tpu.memory_space<vmem>>)
    %dma_wait3A_121 = arith.constant 2 : i32
    %dma_wait3A_122 = arith.constant 256 : i32
    %dma_wait3A_123 = arith.constant 0 : i32
    %dma_wait3A_124 = tpu.memref_slice %arg8[%dma_wait3A_122, %dma_wait3A_123] : memref<512x64xf32, #tpu.memory_space<vmem>> -> memref<128x64xf32, #tpu.memory_space<vmem>>
    %dma_wait3A_125 = arith.constant 0 : i32
    %dma_wait3A_126 = tpu.memref_slice %arg6[%dma_wait3A_121, %dma_wait3A_125] : memref<4x128xi32, #tpu.memory_space<vmem>> -> memref<1x128xi32, #tpu.memory_space<vmem>>
    %dma_wait3A_127 = tpu.memref_squeeze %dma_wait3A_126 : memref<1x128xi32, #tpu.memory_space<vmem>> -> memref<128xi32, #tpu.memory_space<vmem>>
    %dma_wait3A_128 = arith.constant 0 : i32
    %dma_wait3A_129 = arith.constant 0 : i32
    %dma_wait3A_130 = tpu.memref_slice %arg4[%dma_wait3A_128, %dma_wait3A_129] : memref<1000000x64xf32, #tpu.memory_space<hbm>> -> memref<1000000x64xf32, #tpu.memory_space<hbm>>
    tpu.wait_indirect_dma semaphore(%arg11 : memref<!tpu.dma_semaphore, #tpu.memory_space<semaphore_mem>>) src(%dma_wait3A_130 : memref<1000000x64xf32, #tpu.memory_space<hbm>>) dst(%dma_wait3A_124 : memref<128x64xf32, #tpu.memory_space<vmem>>)
    %dma_wait3A_131 = arith.constant 2 : i32
    %dma_wait3A_132 = arith.constant 256 : i32
    %dma_wait3A_133 = arith.constant 0 : i32
    %dma_wait3A_134 = tpu.memref_slice %arg9[%dma_wait3A_132, %dma_wait3A_133] : memref<512x64xf32, #tpu.memory_space<vmem>> -> memref<128x64xf32, #tpu.memory_space<vmem>>
    %dma_wait3A_135 = arith.constant 0 : i32
    %dma_wait3A_136 = tpu.memref_slice %arg7[%dma_wait3A_131, %dma_wait3A_135] : memref<4x128xi32, #tpu.memory_space<vmem>> -> memref<1x128xi32, #tpu.memory_space<vmem>>
    %dma_wait3A_137 = tpu.memref_squeeze %dma_wait3A_136 : memref<1x128xi32, #tpu.memory_space<vmem>> -> memref<128xi32, #tpu.memory_space<vmem>>
    %dma_wait3A_138 = arith.constant 0 : i32
    %dma_wait3A_139 = arith.constant 0 : i32
    %dma_wait3A_140 = tpu.memref_slice %arg4[%dma_wait3A_138, %dma_wait3A_139] : memref<1000000x64xf32, #tpu.memory_space<hbm>> -> memref<1000000x64xf32, #tpu.memory_space<hbm>>
    tpu.wait_indirect_dma semaphore(%arg11 : memref<!tpu.dma_semaphore, #tpu.memory_space<semaphore_mem>>) src(%dma_wait3A_140 : memref<1000000x64xf32, #tpu.memory_space<hbm>>) dst(%dma_wait3A_134 : memref<128x64xf32, #tpu.memory_space<vmem>>)
    %dma_wait3A_141 = arith.constant 3 : i32
    %dma_wait3A_142 = arith.constant 384 : i32
    %dma_wait3A_143 = arith.constant 0 : i32
    %dma_wait3A_144 = tpu.memref_slice %arg8[%dma_wait3A_142, %dma_wait3A_143] : memref<512x64xf32, #tpu.memory_space<vmem>> -> memref<128x64xf32, #tpu.memory_space<vmem>>
    %dma_wait3A_145 = arith.constant 0 : i32
    %dma_wait3A_146 = tpu.memref_slice %arg6[%dma_wait3A_141, %dma_wait3A_145] : memref<4x128xi32, #tpu.memory_space<vmem>> -> memref<1x128xi32, #tpu.memory_space<vmem>>
    %dma_wait3A_147 = tpu.memref_squeeze %dma_wait3A_146 : memref<1x128xi32, #tpu.memory_space<vmem>> -> memref<128xi32, #tpu.memory_space<vmem>>
    %dma_wait3A_148 = arith.constant 0 : i32
    %dma_wait3A_149 = arith.constant 0 : i32
    %dma_wait3A_150 = tpu.memref_slice %arg4[%dma_wait3A_148, %dma_wait3A_149] : memref<1000000x64xf32, #tpu.memory_space<hbm>> -> memref<1000000x64xf32, #tpu.memory_space<hbm>>
    tpu.wait_indirect_dma semaphore(%arg11 : memref<!tpu.dma_semaphore, #tpu.memory_space<semaphore_mem>>) src(%dma_wait3A_150 : memref<1000000x64xf32, #tpu.memory_space<hbm>>) dst(%dma_wait3A_144 : memref<128x64xf32, #tpu.memory_space<vmem>>)
    %dma_wait3A_151 = arith.constant 3 : i32
    %dma_wait3A_152 = arith.constant 384 : i32
    %dma_wait3A_153 = arith.constant 0 : i32
    %dma_wait3A_154 = tpu.memref_slice %arg9[%dma_wait3A_152, %dma_wait3A_153] : memref<512x64xf32, #tpu.memory_space<vmem>> -> memref<128x64xf32, #tpu.memory_space<vmem>>
    %dma_wait3A_155 = arith.constant 0 : i32
    %dma_wait3A_156 = tpu.memref_slice %arg7[%dma_wait3A_151, %dma_wait3A_155] : memref<4x128xi32, #tpu.memory_space<vmem>> -> memref<1x128xi32, #tpu.memory_space<vmem>>
    %dma_wait3A_157 = tpu.memref_squeeze %dma_wait3A_156 : memref<1x128xi32, #tpu.memory_space<vmem>> -> memref<128xi32, #tpu.memory_space<vmem>>
    %dma_wait3A_158 = arith.constant 0 : i32
    %dma_wait3A_159 = arith.constant 0 : i32
    %dma_wait3A_160 = tpu.memref_slice %arg4[%dma_wait3A_158, %dma_wait3A_159] : memref<1000000x64xf32, #tpu.memory_space<hbm>> -> memref<1000000x64xf32, #tpu.memory_space<hbm>>
    tpu.wait_indirect_dma semaphore(%arg11 : memref<!tpu.dma_semaphore, #tpu.memory_space<semaphore_mem>>) src(%dma_wait3A_160 : memref<1000000x64xf32, #tpu.memory_space<hbm>>) dst(%dma_wait3A_154 : memref<128x64xf32, #tpu.memory_space<vmem>>)
    %iota3A = tpu.iota {dimensions = array<i32: 0>} : vector<16xi32>
    %scan3A = arith.constant 0 : i32
    %scan3A_161 = arith.constant 0 : i32
    %scan3A_162 = arith.constant 32 : i32
    %scan3A_163 = arith.addi %scan3A_161, %scan3A_162 : i32
    %scan3A_164 = arith.constant 1 : i32
    scf.for %scan3A_168 = %scan3A_161 to %scan3A_163 step %scan3A_164  : i32 {
      %mul3A_169 = arith.constant 16 : i32
      %mul3A_170 = arith.muli %scan3A_168, %mul3A_169 : i32
      %add3A_171 = vector.broadcast %mul3A_170 : i32 to vector<16xi32>
      %add3A_172 = arith.addi %add3A_171, %iota3A : vector<16xi32>
      %broadcast_in_dim3A = arith.constant 0.000000e+00 : f32
      %broadcast_in_dim3A_173 = vector.broadcast %broadcast_in_dim3A : f32 to vector<16xf32>
      %broadcast_in_dim3A_174 = arith.constant 0 : i32
      %broadcast_in_dim3A_175 = vector.broadcast %broadcast_in_dim3A_174 : i32 to vector<16xi32>
      %gather3A = tpu.vector_load_idx %arg8[%add3A_172, %broadcast_in_dim3A_175] : memref<512x64xf32, #tpu.memory_space<vmem>>[vector<16xi32>, vector<16xi32>], vector<16xf32>,
      %gather3A_176 = tpu.vector_load_idx %arg9[%add3A_172, %broadcast_in_dim3A_175] : memref<512x64xf32, #tpu.memory_space<vmem>>[vector<16xi32>, vector<16xi32>], vector<16xf32>,
      %mul3A_177 = arith.mulf %gather3A, %gather3A_176 : vector<16xf32>
      %add3A_178 = arith.addf %broadcast_in_dim3A_173, %mul3A_177 : vector<16xf32>
      %broadcast_in_dim3A_179 = arith.constant 1 : i32
      %broadcast_in_dim3A_180 = vector.broadcast %broadcast_in_dim3A_179 : i32 to vector<16xi32>
      %gather3A_181 = tpu.vector_load_idx %arg8[%add3A_172, %broadcast_in_dim3A_180] : memref<512x64xf32, #tpu.memory_space<vmem>>[vector<16xi32>, vector<16xi32>], vector<16xf32>,
      %gather3A_182 = tpu.vector_load_idx %arg9[%add3A_172, %broadcast_in_dim3A_180] : memref<512x64xf32, #tpu.memory_space<vmem>>[vector<16xi32>, vector<16xi32>], vector<16xf32>,
      %mul3A_183 = arith.mulf %gather3A_181, %gather3A_182 : vector<16xf32>
      %add3A_184 = arith.addf %add3A_178, %mul3A_183 : vector<16xf32>
      %broadcast_in_dim3A_185 = arith.constant 2 : i32
      %broadcast_in_dim3A_186 = vector.broadcast %broadcast_in_dim3A_185 : i32 to vector<16xi32>
      %gather3A_187 = tpu.vector_load_idx %arg8[%add3A_172, %broadcast_in_dim3A_186] : memref<512x64xf32, #tpu.memory_space<vmem>>[vector<16xi32>, vector<16xi32>], vector<16xf32>,
      %gather3A_188 = tpu.vector_load_idx %arg9[%add3A_172, %broadcast_in_dim3A_186] : memref<512x64xf32, #tpu.memory_space<vmem>>[vector<16xi32>, vector<16xi32>], vector<16xf32>,
      %mul3A_189 = arith.mulf %gather3A_187, %gather3A_188 : vector<16xf32>
      %add3A_190 = arith.addf %add3A_184, %mul3A_189 : vector<16xf32>
      %broadcast_in_dim3A_191 = arith.constant 3 : i32
      %broadcast_in_dim3A_192 = vector.broadcast %broadcast_in_dim3A_191 : i32 to vector<16xi32>
      %gather3A_193 = tpu.vector_load_idx %arg8[%add3A_172, %broadcast_in_dim3A_192] : memref<512x64xf32, #tpu.memory_space<vmem>>[vector<16xi32>, vector<16xi32>], vector<16xf32>,
      %gather3A_194 = tpu.vector_load_idx %arg9[%add3A_172, %broadcast_in_dim3A_192] : memref<512x64xf32, #tpu.memory_space<vmem>>[vector<16xi32>, vector<16xi32>], vector<16xf32>,
      %mul3A_195 = arith.mulf %gather3A_193, %gather3A_194 : vector<16xf32>
      %add3A_196 = arith.addf %add3A_190, %mul3A_195 : vector<16xf32>
      %broadcast_in_dim3A_197 = arith.constant 4 : i32
      %broadcast_in_dim3A_198 = vector.broadcast %broadcast_in_dim3A_197 : i32 to vector<16xi32>
      %gather3A_199 = tpu.vector_load_idx %arg8[%add3A_172, %broadcast_in_dim3A_198] : memref<512x64xf32, #tpu.memory_space<vmem>>[vector<16xi32>, vector<16xi32>], vector<16xf32>,
      %gather3A_200 = tpu.vector_load_idx %arg9[%add3A_172, %broadcast_in_dim3A_198] : memref<512x64xf32, #tpu.memory_space<vmem>>[vector<16xi32>, vector<16xi32>], vector<16xf32>,
      %mul3A_201 = arith.mulf %gather3A_199, %gather3A_200 : vector<16xf32>
      %add3A_202 = arith.addf %add3A_196, %mul3A_201 : vector<16xf32>
      %broadcast_in_dim3A_203 = arith.constant 5 : i32
      %broadcast_in_dim3A_204 = vector.broadcast %broadcast_in_dim3A_203 : i32 to vector<16xi32>
      %gather3A_205 = tpu.vector_load_idx %arg8[%add3A_172, %broadcast_in_dim3A_204] : memref<512x64xf32, #tpu.memory_space<vmem>>[vector<16xi32>, vector<16xi32>], vector<16xf32>,
      %gather3A_206 = tpu.vector_load_idx %arg9[%add3A_172, %broadcast_in_dim3A_204] : memref<512x64xf32, #tpu.memory_space<vmem>>[vector<16xi32>, vector<16xi32>], vector<16xf32>,
      %mul3A_207 = arith.mulf %gather3A_205, %gather3A_206 : vector<16xf32>
      %add3A_208 = arith.addf %add3A_202, %mul3A_207 : vector<16xf32>
      %broadcast_in_dim3A_209 = arith.constant 6 : i32
      %broadcast_in_dim3A_210 = vector.broadcast %broadcast_in_dim3A_209 : i32 to vector<16xi32>
      %gather3A_211 = tpu.vector_load_idx %arg8[%add3A_172, %broadcast_in_dim3A_210] : memref<512x64xf32, #tpu.memory_space<vmem>>[vector<16xi32>, vector<16xi32>], vector<16xf32>,
      %gather3A_212 = tpu.vector_load_idx %arg9[%add3A_172, %broadcast_in_dim3A_210] : memref<512x64xf32, #tpu.memory_space<vmem>>[vector<16xi32>, vector<16xi32>], vector<16xf32>,
      %mul3A_213 = arith.mulf %gather3A_211, %gather3A_212 : vector<16xf32>
      %add3A_214 = arith.addf %add3A_208, %mul3A_213 : vector<16xf32>
      %broadcast_in_dim3A_215 = arith.constant 7 : i32
      %broadcast_in_dim3A_216 = vector.broadcast %broadcast_in_dim3A_215 : i32 to vector<16xi32>
      %gather3A_217 = tpu.vector_load_idx %arg8[%add3A_172, %broadcast_in_dim3A_216] : memref<512x64xf32, #tpu.memory_space<vmem>>[vector<16xi32>, vector<16xi32>], vector<16xf32>,
      %gather3A_218 = tpu.vector_load_idx %arg9[%add3A_172, %broadcast_in_dim3A_216] : memref<512x64xf32, #tpu.memory_space<vmem>>[vector<16xi32>, vector<16xi32>], vector<16xf32>,
      %mul3A_219 = arith.mulf %gather3A_217, %gather3A_218 : vector<16xf32>
      %add3A_220 = arith.addf %add3A_214, %mul3A_219 : vector<16xf32>
      %broadcast_in_dim3A_221 = arith.constant 8 : i32
      %broadcast_in_dim3A_222 = vector.broadcast %broadcast_in_dim3A_221 : i32 to vector<16xi32>
      %gather3A_223 = tpu.vector_load_idx %arg8[%add3A_172, %broadcast_in_dim3A_222] : memref<512x64xf32, #tpu.memory_space<vmem>>[vector<16xi32>, vector<16xi32>], vector<16xf32>,
      %gather3A_224 = tpu.vector_load_idx %arg9[%add3A_172, %broadcast_in_dim3A_222] : memref<512x64xf32, #tpu.memory_space<vmem>>[vector<16xi32>, vector<16xi32>], vector<16xf32>,
      %mul3A_225 = arith.mulf %gather3A_223, %gather3A_224 : vector<16xf32>
      %add3A_226 = arith.addf %add3A_220, %mul3A_225 : vector<16xf32>
      %broadcast_in_dim3A_227 = arith.constant 9 : i32
      %broadcast_in_dim3A_228 = vector.broadcast %broadcast_in_dim3A_227 : i32 to vector<16xi32>
      %gather3A_229 = tpu.vector_load_idx %arg8[%add3A_172, %broadcast_in_dim3A_228] : memref<512x64xf32, #tpu.memory_space<vmem>>[vector<16xi32>, vector<16xi32>], vector<16xf32>,
      %gather3A_230 = tpu.vector_load_idx %arg9[%add3A_172, %broadcast_in_dim3A_228] : memref<512x64xf32, #tpu.memory_space<vmem>>[vector<16xi32>, vector<16xi32>], vector<16xf32>,
      %mul3A_231 = arith.mulf %gather3A_229, %gather3A_230 : vector<16xf32>
      %add3A_232 = arith.addf %add3A_226, %mul3A_231 : vector<16xf32>
      %broadcast_in_dim3A_233 = arith.constant 10 : i32
      %broadcast_in_dim3A_234 = vector.broadcast %broadcast_in_dim3A_233 : i32 to vector<16xi32>
      %gather3A_235 = tpu.vector_load_idx %arg8[%add3A_172, %broadcast_in_dim3A_234] : memref<512x64xf32, #tpu.memory_space<vmem>>[vector<16xi32>, vector<16xi32>], vector<16xf32>,
      %gather3A_236 = tpu.vector_load_idx %arg9[%add3A_172, %broadcast_in_dim3A_234] : memref<512x64xf32, #tpu.memory_space<vmem>>[vector<16xi32>, vector<16xi32>], vector<16xf32>,
      %mul3A_237 = arith.mulf %gather3A_235, %gather3A_236 : vector<16xf32>
      %add3A_238 = arith.addf %add3A_232, %mul3A_237 : vector<16xf32>
      %broadcast_in_dim3A_239 = arith.constant 11 : i32
      %broadcast_in_dim3A_240 = vector.broadcast %broadcast_in_dim3A_239 : i32 to vector<16xi32>
      %gather3A_241 = tpu.vector_load_idx %arg8[%add3A_172, %broadcast_in_dim3A_240] : memref<512x64xf32, #tpu.memory_space<vmem>>[vector<16xi32>, vector<16xi32>], vector<16xf32>,
      %gather3A_242 = tpu.vector_load_idx %arg9[%add3A_172, %broadcast_in_dim3A_240] : memref<512x64xf32, #tpu.memory_space<vmem>>[vector<16xi32>, vector<16xi32>], vector<16xf32>,
      %mul3A_243 = arith.mulf %gather3A_241, %gather3A_242 : vector<16xf32>
      %add3A_244 = arith.addf %add3A_238, %mul3A_243 : vector<16xf32>
      %broadcast_in_dim3A_245 = arith.constant 12 : i32
      %broadcast_in_dim3A_246 = vector.broadcast %broadcast_in_dim3A_245 : i32 to vector<16xi32>
      %gather3A_247 = tpu.vector_load_idx %arg8[%add3A_172, %broadcast_in_dim3A_246] : memref<512x64xf32, #tpu.memory_space<vmem>>[vector<16xi32>, vector<16xi32>], vector<16xf32>,
      %gather3A_248 = tpu.vector_load_idx %arg9[%add3A_172, %broadcast_in_dim3A_246] : memref<512x64xf32, #tpu.memory_space<vmem>>[vector<16xi32>, vector<16xi32>], vector<16xf32>,
      %mul3A_249 = arith.mulf %gather3A_247, %gather3A_248 : vector<16xf32>
      %add3A_250 = arith.addf %add3A_244, %mul3A_249 : vector<16xf32>
      %broadcast_in_dim3A_251 = arith.constant 13 : i32
      %broadcast_in_dim3A_252 = vector.broadcast %broadcast_in_dim3A_251 : i32 to vector<16xi32>
      %gather3A_253 = tpu.vector_load_idx %arg8[%add3A_172, %broadcast_in_dim3A_252] : memref<512x64xf32, #tpu.memory_space<vmem>>[vector<16xi32>, vector<16xi32>], vector<16xf32>,
      %gather3A_254 = tpu.vector_load_idx %arg9[%add3A_172, %broadcast_in_dim3A_252] : memref<512x64xf32, #tpu.memory_space<vmem>>[vector<16xi32>, vector<16xi32>], vector<16xf32>,
      %mul3A_255 = arith.mulf %gather3A_253, %gather3A_254 : vector<16xf32>
      %add3A_256 = arith.addf %add3A_250, %mul3A_255 : vector<16xf32>
      %broadcast_in_dim3A_257 = arith.constant 14 : i32
      %broadcast_in_dim3A_258 = vector.broadcast %broadcast_in_dim3A_257 : i32 to vector<16xi32>
      %gather3A_259 = tpu.vector_load_idx %arg8[%add3A_172, %broadcast_in_dim3A_258] : memref<512x64xf32, #tpu.memory_space<vmem>>[vector<16xi32>, vector<16xi32>], vector<16xf32>,
      %gather3A_260 = tpu.vector_load_idx %arg9[%add3A_172, %broadcast_in_dim3A_258] : memref<512x64xf32, #tpu.memory_space<vmem>>[vector<16xi32>, vector<16xi32>], vector<16xf32>,
      %mul3A_261 = arith.mulf %gather3A_259, %gather3A_260 : vector<16xf32>
      %add3A_262 = arith.addf %add3A_256, %mul3A_261 : vector<16xf32>
      %broadcast_in_dim3A_263 = arith.constant 15 : i32
      %broadcast_in_dim3A_264 = vector.broadcast %broadcast_in_dim3A_263 : i32 to vector<16xi32>
      %gather3A_265 = tpu.vector_load_idx %arg8[%add3A_172, %broadcast_in_dim3A_264] : memref<512x64xf32, #tpu.memory_space<vmem>>[vector<16xi32>, vector<16xi32>], vector<16xf32>,
      %gather3A_266 = tpu.vector_load_idx %arg9[%add3A_172, %broadcast_in_dim3A_264] : memref<512x64xf32, #tpu.memory_space<vmem>>[vector<16xi32>, vector<16xi32>], vector<16xf32>,
      %mul3A_267 = arith.mulf %gather3A_265, %gather3A_266 : vector<16xf32>
      %add3A_268 = arith.addf %add3A_262, %mul3A_267 : vector<16xf32>
      %broadcast_in_dim3A_269 = arith.constant 16 : i32
      %broadcast_in_dim3A_270 = vector.broadcast %broadcast_in_dim3A_269 : i32 to vector<16xi32>
      %gather3A_271 = tpu.vector_load_idx %arg8[%add3A_172, %broadcast_in_dim3A_270] : memref<512x64xf32, #tpu.memory_space<vmem>>[vector<16xi32>, vector<16xi32>], vector<16xf32>,
      %gather3A_272 = tpu.vector_load_idx %arg9[%add3A_172, %broadcast_in_dim3A_270] : memref<512x64xf32, #tpu.memory_space<vmem>>[vector<16xi32>, vector<16xi32>], vector<16xf32>,
      %mul3A_273 = arith.mulf %gather3A_271, %gather3A_272 : vector<16xf32>
      %add3A_274 = arith.addf %add3A_268, %mul3A_273 : vector<16xf32>
      %broadcast_in_dim3A_275 = arith.constant 17 : i32
      %broadcast_in_dim3A_276 = vector.broadcast %broadcast_in_dim3A_275 : i32 to vector<16xi32>
      %gather3A_277 = tpu.vector_load_idx %arg8[%add3A_172, %broadcast_in_dim3A_276] : memref<512x64xf32, #tpu.memory_space<vmem>>[vector<16xi32>, vector<16xi32>], vector<16xf32>,
      %gather3A_278 = tpu.vector_load_idx %arg9[%add3A_172, %broadcast_in_dim3A_276] : memref<512x64xf32, #tpu.memory_space<vmem>>[vector<16xi32>, vector<16xi32>], vector<16xf32>,
      %mul3A_279 = arith.mulf %gather3A_277, %gather3A_278 : vector<16xf32>
      %add3A_280 = arith.addf %add3A_274, %mul3A_279 : vector<16xf32>
      %broadcast_in_dim3A_281 = arith.constant 18 : i32
      %broadcast_in_dim3A_282 = vector.broadcast %broadcast_in_dim3A_281 : i32 to vector<16xi32>
      %gather3A_283 = tpu.vector_load_idx %arg8[%add3A_172, %broadcast_in_dim3A_282] : memref<512x64xf32, #tpu.memory_space<vmem>>[vector<16xi32>, vector<16xi32>], vector<16xf32>,
      %gather3A_284 = tpu.vector_load_idx %arg9[%add3A_172, %broadcast_in_dim3A_282] : memref<512x64xf32, #tpu.memory_space<vmem>>[vector<16xi32>, vector<16xi32>], vector<16xf32>,
      %mul3A_285 = arith.mulf %gather3A_283, %gather3A_284 : vector<16xf32>
      %add3A_286 = arith.addf %add3A_280, %mul3A_285 : vector<16xf32>
      %broadcast_in_dim3A_287 = arith.constant 19 : i32
      %broadcast_in_dim3A_288 = vector.broadcast %broadcast_in_dim3A_287 : i32 to vector<16xi32>
      %gather3A_289 = tpu.vector_load_idx %arg8[%add3A_172, %broadcast_in_dim3A_288] : memref<512x64xf32, #tpu.memory_space<vmem>>[vector<16xi32>, vector<16xi32>], vector<16xf32>,
      %gather3A_290 = tpu.vector_load_idx %arg9[%add3A_172, %broadcast_in_dim3A_288] : memref<512x64xf32, #tpu.memory_space<vmem>>[vector<16xi32>, vector<16xi32>], vector<16xf32>,
      %mul3A_291 = arith.mulf %gather3A_289, %gather3A_290 : vector<16xf32>
      %add3A_292 = arith.addf %add3A_286, %mul3A_291 : vector<16xf32>
      %broadcast_in_dim3A_293 = arith.constant 20 : i32
      %broadcast_in_dim3A_294 = vector.broadcast %broadcast_in_dim3A_293 : i32 to vector<16xi32>
      %gather3A_295 = tpu.vector_load_idx %arg8[%add3A_172, %broadcast_in_dim3A_294] : memref<512x64xf32, #tpu.memory_space<vmem>>[vector<16xi32>, vector<16xi32>], vector<16xf32>,
      %gather3A_296 = tpu.vector_load_idx %arg9[%add3A_172, %broadcast_in_dim3A_294] : memref<512x64xf32, #tpu.memory_space<vmem>>[vector<16xi32>, vector<16xi32>], vector<16xf32>,
      %mul3A_297 = arith.mulf %gather3A_295, %gather3A_296 : vector<16xf32>
      %add3A_298 = arith.addf %add3A_292, %mul3A_297 : vector<16xf32>
      %broadcast_in_dim3A_299 = arith.constant 21 : i32
      %broadcast_in_dim3A_300 = vector.broadcast %broadcast_in_dim3A_299 : i32 to vector<16xi32>
      %gather3A_301 = tpu.vector_load_idx %arg8[%add3A_172, %broadcast_in_dim3A_300] : memref<512x64xf32, #tpu.memory_space<vmem>>[vector<16xi32>, vector<16xi32>], vector<16xf32>,
      %gather3A_302 = tpu.vector_load_idx %arg9[%add3A_172, %broadcast_in_dim3A_300] : memref<512x64xf32, #tpu.memory_space<vmem>>[vector<16xi32>, vector<16xi32>], vector<16xf32>,
      %mul3A_303 = arith.mulf %gather3A_301, %gather3A_302 : vector<16xf32>
      %add3A_304 = arith.addf %add3A_298, %mul3A_303 : vector<16xf32>
      %broadcast_in_dim3A_305 = arith.constant 22 : i32
      %broadcast_in_dim3A_306 = vector.broadcast %broadcast_in_dim3A_305 : i32 to vector<16xi32>
      %gather3A_307 = tpu.vector_load_idx %arg8[%add3A_172, %broadcast_in_dim3A_306] : memref<512x64xf32, #tpu.memory_space<vmem>>[vector<16xi32>, vector<16xi32>], vector<16xf32>,
      %gather3A_308 = tpu.vector_load_idx %arg9[%add3A_172, %broadcast_in_dim3A_306] : memref<512x64xf32, #tpu.memory_space<vmem>>[vector<16xi32>, vector<16xi32>], vector<16xf32>,
      %mul3A_309 = arith.mulf %gather3A_307, %gather3A_308 : vector<16xf32>
      %add3A_310 = arith.addf %add3A_304, %mul3A_309 : vector<16xf32>
      %broadcast_in_dim3A_311 = arith.constant 23 : i32
      %broadcast_in_dim3A_312 = vector.broadcast %broadcast_in_dim3A_311 : i32 to vector<16xi32>
      %gather3A_313 = tpu.vector_load_idx %arg8[%add3A_172, %broadcast_in_dim3A_312] : memref<512x64xf32, #tpu.memory_space<vmem>>[vector<16xi32>, vector<16xi32>], vector<16xf32>,
      %gather3A_314 = tpu.vector_load_idx %arg9[%add3A_172, %broadcast_in_dim3A_312] : memref<512x64xf32, #tpu.memory_space<vmem>>[vector<16xi32>, vector<16xi32>], vector<16xf32>,
      %mul3A_315 = arith.mulf %gather3A_313, %gather3A_314 : vector<16xf32>
      %add3A_316 = arith.addf %add3A_310, %mul3A_315 : vector<16xf32>
      %broadcast_in_dim3A_317 = arith.constant 24 : i32
      %broadcast_in_dim3A_318 = vector.broadcast %broadcast_in_dim3A_317 : i32 to vector<16xi32>
      %gather3A_319 = tpu.vector_load_idx %arg8[%add3A_172, %broadcast_in_dim3A_318] : memref<512x64xf32, #tpu.memory_space<vmem>>[vector<16xi32>, vector<16xi32>], vector<16xf32>,
      %gather3A_320 = tpu.vector_load_idx %arg9[%add3A_172, %broadcast_in_dim3A_318] : memref<512x64xf32, #tpu.memory_space<vmem>>[vector<16xi32>, vector<16xi32>], vector<16xf32>,
      %mul3A_321 = arith.mulf %gather3A_319, %gather3A_320 : vector<16xf32>
      %add3A_322 = arith.addf %add3A_316, %mul3A_321 : vector<16xf32>
      %broadcast_in_dim3A_323 = arith.constant 25 : i32
      %broadcast_in_dim3A_324 = vector.broadcast %broadcast_in_dim3A_323 : i32 to vector<16xi32>
      %gather3A_325 = tpu.vector_load_idx %arg8[%add3A_172, %broadcast_in_dim3A_324] : memref<512x64xf32, #tpu.memory_space<vmem>>[vector<16xi32>, vector<16xi32>], vector<16xf32>,
      %gather3A_326 = tpu.vector_load_idx %arg9[%add3A_172, %broadcast_in_dim3A_324] : memref<512x64xf32, #tpu.memory_space<vmem>>[vector<16xi32>, vector<16xi32>], vector<16xf32>,
      %mul3A_327 = arith.mulf %gather3A_325, %gather3A_326 : vector<16xf32>
      %add3A_328 = arith.addf %add3A_322, %mul3A_327 : vector<16xf32>
      %broadcast_in_dim3A_329 = arith.constant 26 : i32
      %broadcast_in_dim3A_330 = vector.broadcast %broadcast_in_dim3A_329 : i32 to vector<16xi32>
      %gather3A_331 = tpu.vector_load_idx %arg8[%add3A_172, %broadcast_in_dim3A_330] : memref<512x64xf32, #tpu.memory_space<vmem>>[vector<16xi32>, vector<16xi32>], vector<16xf32>,
      %gather3A_332 = tpu.vector_load_idx %arg9[%add3A_172, %broadcast_in_dim3A_330] : memref<512x64xf32, #tpu.memory_space<vmem>>[vector<16xi32>, vector<16xi32>], vector<16xf32>,
      %mul3A_333 = arith.mulf %gather3A_331, %gather3A_332 : vector<16xf32>
      %add3A_334 = arith.addf %add3A_328, %mul3A_333 : vector<16xf32>
      %broadcast_in_dim3A_335 = arith.constant 27 : i32
      %broadcast_in_dim3A_336 = vector.broadcast %broadcast_in_dim3A_335 : i32 to vector<16xi32>
      %gather3A_337 = tpu.vector_load_idx %arg8[%add3A_172, %broadcast_in_dim3A_336] : memref<512x64xf32, #tpu.memory_space<vmem>>[vector<16xi32>, vector<16xi32>], vector<16xf32>,
      %gather3A_338 = tpu.vector_load_idx %arg9[%add3A_172, %broadcast_in_dim3A_336] : memref<512x64xf32, #tpu.memory_space<vmem>>[vector<16xi32>, vector<16xi32>], vector<16xf32>,
      %mul3A_339 = arith.mulf %gather3A_337, %gather3A_338 : vector<16xf32>
      %add3A_340 = arith.addf %add3A_334, %mul3A_339 : vector<16xf32>
      %broadcast_in_dim3A_341 = arith.constant 28 : i32
      %broadcast_in_dim3A_342 = vector.broadcast %broadcast_in_dim3A_341 : i32 to vector<16xi32>
      %gather3A_343 = tpu.vector_load_idx %arg8[%add3A_172, %broadcast_in_dim3A_342] : memref<512x64xf32, #tpu.memory_space<vmem>>[vector<16xi32>, vector<16xi32>], vector<16xf32>,
      %gather3A_344 = tpu.vector_load_idx %arg9[%add3A_172, %broadcast_in_dim3A_342] : memref<512x64xf32, #tpu.memory_space<vmem>>[vector<16xi32>, vector<16xi32>], vector<16xf32>,
      %mul3A_345 = arith.mulf %gather3A_343, %gather3A_344 : vector<16xf32>
      %add3A_346 = arith.addf %add3A_340, %mul3A_345 : vector<16xf32>
      %broadcast_in_dim3A_347 = arith.constant 29 : i32
      %broadcast_in_dim3A_348 = vector.broadcast %broadcast_in_dim3A_347 : i32 to vector<16xi32>
      %gather3A_349 = tpu.vector_load_idx %arg8[%add3A_172, %broadcast_in_dim3A_348] : memref<512x64xf32, #tpu.memory_space<vmem>>[vector<16xi32>, vector<16xi32>], vector<16xf32>,
      %gather3A_350 = tpu.vector_load_idx %arg9[%add3A_172, %broadcast_in_dim3A_348] : memref<512x64xf32, #tpu.memory_space<vmem>>[vector<16xi32>, vector<16xi32>], vector<16xf32>,
      %mul3A_351 = arith.mulf %gather3A_349, %gather3A_350 : vector<16xf32>
      %add3A_352 = arith.addf %add3A_346, %mul3A_351 : vector<16xf32>
      %broadcast_in_dim3A_353 = arith.constant 30 : i32
      %broadcast_in_dim3A_354 = vector.broadcast %broadcast_in_dim3A_353 : i32 to vector<16xi32>
      %gather3A_355 = tpu.vector_load_idx %arg8[%add3A_172, %broadcast_in_dim3A_354] : memref<512x64xf32, #tpu.memory_space<vmem>>[vector<16xi32>, vector<16xi32>], vector<16xf32>,
      %gather3A_356 = tpu.vector_load_idx %arg9[%add3A_172, %broadcast_in_dim3A_354] : memref<512x64xf32, #tpu.memory_space<vmem>>[vector<16xi32>, vector<16xi32>], vector<16xf32>,
      %mul3A_357 = arith.mulf %gather3A_355, %gather3A_356 : vector<16xf32>
      %add3A_358 = arith.addf %add3A_352, %mul3A_357 : vector<16xf32>
      %broadcast_in_dim3A_359 = arith.constant 31 : i32
      %broadcast_in_dim3A_360 = vector.broadcast %broadcast_in_dim3A_359 : i32 to vector<16xi32>
      %gather3A_361 = tpu.vector_load_idx %arg8[%add3A_172, %broadcast_in_dim3A_360] : memref<512x64xf32, #tpu.memory_space<vmem>>[vector<16xi32>, vector<16xi32>], vector<16xf32>,
      %gather3A_362 = tpu.vector_load_idx %arg9[%add3A_172, %broadcast_in_dim3A_360] : memref<512x64xf32, #tpu.memory_space<vmem>>[vector<16xi32>, vector<16xi32>], vector<16xf32>,
      %mul3A_363 = arith.mulf %gather3A_361, %gather3A_362 : vector<16xf32>
      %add3A_364 = arith.addf %add3A_358, %mul3A_363 : vector<16xf32>
      %broadcast_in_dim3A_365 = arith.constant 32 : i32
      %broadcast_in_dim3A_366 = vector.broadcast %broadcast_in_dim3A_365 : i32 to vector<16xi32>
      %gather3A_367 = tpu.vector_load_idx %arg8[%add3A_172, %broadcast_in_dim3A_366] : memref<512x64xf32, #tpu.memory_space<vmem>>[vector<16xi32>, vector<16xi32>], vector<16xf32>,
      %gather3A_368 = tpu.vector_load_idx %arg9[%add3A_172, %broadcast_in_dim3A_366] : memref<512x64xf32, #tpu.memory_space<vmem>>[vector<16xi32>, vector<16xi32>], vector<16xf32>,
      %mul3A_369 = arith.mulf %gather3A_367, %gather3A_368 : vector<16xf32>
      %add3A_370 = arith.addf %add3A_364, %mul3A_369 : vector<16xf32>
      %broadcast_in_dim3A_371 = arith.constant 33 : i32
      %broadcast_in_dim3A_372 = vector.broadcast %broadcast_in_dim3A_371 : i32 to vector<16xi32>
      %gather3A_373 = tpu.vector_load_idx %arg8[%add3A_172, %broadcast_in_dim3A_372] : memref<512x64xf32, #tpu.memory_space<vmem>>[vector<16xi32>, vector<16xi32>], vector<16xf32>,
      %gather3A_374 = tpu.vector_load_idx %arg9[%add3A_172, %broadcast_in_dim3A_372] : memref<512x64xf32, #tpu.memory_space<vmem>>[vector<16xi32>, vector<16xi32>], vector<16xf32>,
      %mul3A_375 = arith.mulf %gather3A_373, %gather3A_374 : vector<16xf32>
      %add3A_376 = arith.addf %add3A_370, %mul3A_375 : vector<16xf32>
      %broadcast_in_dim3A_377 = arith.constant 34 : i32
      %broadcast_in_dim3A_378 = vector.broadcast %broadcast_in_dim3A_377 : i32 to vector<16xi32>
      %gather3A_379 = tpu.vector_load_idx %arg8[%add3A_172, %broadcast_in_dim3A_378] : memref<512x64xf32, #tpu.memory_space<vmem>>[vector<16xi32>, vector<16xi32>], vector<16xf32>,
      %gather3A_380 = tpu.vector_load_idx %arg9[%add3A_172, %broadcast_in_dim3A_378] : memref<512x64xf32, #tpu.memory_space<vmem>>[vector<16xi32>, vector<16xi32>], vector<16xf32>,
      %mul3A_381 = arith.mulf %gather3A_379, %gather3A_380 : vector<16xf32>
      %add3A_382 = arith.addf %add3A_376, %mul3A_381 : vector<16xf32>
      %broadcast_in_dim3A_383 = arith.constant 35 : i32
      %broadcast_in_dim3A_384 = vector.broadcast %broadcast_in_dim3A_383 : i32 to vector<16xi32>
      %gather3A_385 = tpu.vector_load_idx %arg8[%add3A_172, %broadcast_in_dim3A_384] : memref<512x64xf32, #tpu.memory_space<vmem>>[vector<16xi32>, vector<16xi32>], vector<16xf32>,
      %gather3A_386 = tpu.vector_load_idx %arg9[%add3A_172, %broadcast_in_dim3A_384] : memref<512x64xf32, #tpu.memory_space<vmem>>[vector<16xi32>, vector<16xi32>], vector<16xf32>,
      %mul3A_387 = arith.mulf %gather3A_385, %gather3A_386 : vector<16xf32>
      %add3A_388 = arith.addf %add3A_382, %mul3A_387 : vector<16xf32>
      %broadcast_in_dim3A_389 = arith.constant 36 : i32
      %broadcast_in_dim3A_390 = vector.broadcast %broadcast_in_dim3A_389 : i32 to vector<16xi32>
      %gather3A_391 = tpu.vector_load_idx %arg8[%add3A_172, %broadcast_in_dim3A_390] : memref<512x64xf32, #tpu.memory_space<vmem>>[vector<16xi32>, vector<16xi32>], vector<16xf32>,
      %gather3A_392 = tpu.vector_load_idx %arg9[%add3A_172, %broadcast_in_dim3A_390] : memref<512x64xf32, #tpu.memory_space<vmem>>[vector<16xi32>, vector<16xi32>], vector<16xf32>,
      %mul3A_393 = arith.mulf %gather3A_391, %gather3A_392 : vector<16xf32>
      %add3A_394 = arith.addf %add3A_388, %mul3A_393 : vector<16xf32>
      %broadcast_in_dim3A_395 = arith.constant 37 : i32
      %broadcast_in_dim3A_396 = vector.broadcast %broadcast_in_dim3A_395 : i32 to vector<16xi32>
      %gather3A_397 = tpu.vector_load_idx %arg8[%add3A_172, %broadcast_in_dim3A_396] : memref<512x64xf32, #tpu.memory_space<vmem>>[vector<16xi32>, vector<16xi32>], vector<16xf32>,
      %gather3A_398 = tpu.vector_load_idx %arg9[%add3A_172, %broadcast_in_dim3A_396] : memref<512x64xf32, #tpu.memory_space<vmem>>[vector<16xi32>, vector<16xi32>], vector<16xf32>,
      %mul3A_399 = arith.mulf %gather3A_397, %gather3A_398 : vector<16xf32>
      %add3A_400 = arith.addf %add3A_394, %mul3A_399 : vector<16xf32>
      %broadcast_in_dim3A_401 = arith.constant 38 : i32
      %broadcast_in_dim3A_402 = vector.broadcast %broadcast_in_dim3A_401 : i32 to vector<16xi32>
      %gather3A_403 = tpu.vector_load_idx %arg8[%add3A_172, %broadcast_in_dim3A_402] : memref<512x64xf32, #tpu.memory_space<vmem>>[vector<16xi32>, vector<16xi32>], vector<16xf32>,
      %gather3A_404 = tpu.vector_load_idx %arg9[%add3A_172, %broadcast_in_dim3A_402] : memref<512x64xf32, #tpu.memory_space<vmem>>[vector<16xi32>, vector<16xi32>], vector<16xf32>,
      %mul3A_405 = arith.mulf %gather3A_403, %gather3A_404 : vector<16xf32>
      %add3A_406 = arith.addf %add3A_400, %mul3A_405 : vector<16xf32>
      %broadcast_in_dim3A_407 = arith.constant 39 : i32
      %broadcast_in_dim3A_408 = vector.broadcast %broadcast_in_dim3A_407 : i32 to vector<16xi32>
      %gather3A_409 = tpu.vector_load_idx %arg8[%add3A_172, %broadcast_in_dim3A_408] : memref<512x64xf32, #tpu.memory_space<vmem>>[vector<16xi32>, vector<16xi32>], vector<16xf32>,
      %gather3A_410 = tpu.vector_load_idx %arg9[%add3A_172, %broadcast_in_dim3A_408] : memref<512x64xf32, #tpu.memory_space<vmem>>[vector<16xi32>, vector<16xi32>], vector<16xf32>,
      %mul3A_411 = arith.mulf %gather3A_409, %gather3A_410 : vector<16xf32>
      %add3A_412 = arith.addf %add3A_406, %mul3A_411 : vector<16xf32>
      %broadcast_in_dim3A_413 = arith.constant 40 : i32
      %broadcast_in_dim3A_414 = vector.broadcast %broadcast_in_dim3A_413 : i32 to vector<16xi32>
      %gather3A_415 = tpu.vector_load_idx %arg8[%add3A_172, %broadcast_in_dim3A_414] : memref<512x64xf32, #tpu.memory_space<vmem>>[vector<16xi32>, vector<16xi32>], vector<16xf32>,
      %gather3A_416 = tpu.vector_load_idx %arg9[%add3A_172, %broadcast_in_dim3A_414] : memref<512x64xf32, #tpu.memory_space<vmem>>[vector<16xi32>, vector<16xi32>], vector<16xf32>,
      %mul3A_417 = arith.mulf %gather3A_415, %gather3A_416 : vector<16xf32>
      %add3A_418 = arith.addf %add3A_412, %mul3A_417 : vector<16xf32>
      %broadcast_in_dim3A_419 = arith.constant 41 : i32
      %broadcast_in_dim3A_420 = vector.broadcast %broadcast_in_dim3A_419 : i32 to vector<16xi32>
      %gather3A_421 = tpu.vector_load_idx %arg8[%add3A_172, %broadcast_in_dim3A_420] : memref<512x64xf32, #tpu.memory_space<vmem>>[vector<16xi32>, vector<16xi32>], vector<16xf32>,
      %gather3A_422 = tpu.vector_load_idx %arg9[%add3A_172, %broadcast_in_dim3A_420] : memref<512x64xf32, #tpu.memory_space<vmem>>[vector<16xi32>, vector<16xi32>], vector<16xf32>,
      %mul3A_423 = arith.mulf %gather3A_421, %gather3A_422 : vector<16xf32>
      %add3A_424 = arith.addf %add3A_418, %mul3A_423 : vector<16xf32>
      %broadcast_in_dim3A_425 = arith.constant 42 : i32
      %broadcast_in_dim3A_426 = vector.broadcast %broadcast_in_dim3A_425 : i32 to vector<16xi32>
      %gather3A_427 = tpu.vector_load_idx %arg8[%add3A_172, %broadcast_in_dim3A_426] : memref<512x64xf32, #tpu.memory_space<vmem>>[vector<16xi32>, vector<16xi32>], vector<16xf32>,
      %gather3A_428 = tpu.vector_load_idx %arg9[%add3A_172, %broadcast_in_dim3A_426] : memref<512x64xf32, #tpu.memory_space<vmem>>[vector<16xi32>, vector<16xi32>], vector<16xf32>,
      %mul3A_429 = arith.mulf %gather3A_427, %gather3A_428 : vector<16xf32>
      %add3A_430 = arith.addf %add3A_424, %mul3A_429 : vector<16xf32>
      %broadcast_in_dim3A_431 = arith.constant 43 : i32
      %broadcast_in_dim3A_432 = vector.broadcast %broadcast_in_dim3A_431 : i32 to vector<16xi32>
      %gather3A_433 = tpu.vector_load_idx %arg8[%add3A_172, %broadcast_in_dim3A_432] : memref<512x64xf32, #tpu.memory_space<vmem>>[vector<16xi32>, vector<16xi32>], vector<16xf32>,
      %gather3A_434 = tpu.vector_load_idx %arg9[%add3A_172, %broadcast_in_dim3A_432] : memref<512x64xf32, #tpu.memory_space<vmem>>[vector<16xi32>, vector<16xi32>], vector<16xf32>,
      %mul3A_435 = arith.mulf %gather3A_433, %gather3A_434 : vector<16xf32>
      %add3A_436 = arith.addf %add3A_430, %mul3A_435 : vector<16xf32>
      %broadcast_in_dim3A_437 = arith.constant 44 : i32
      %broadcast_in_dim3A_438 = vector.broadcast %broadcast_in_dim3A_437 : i32 to vector<16xi32>
      %gather3A_439 = tpu.vector_load_idx %arg8[%add3A_172, %broadcast_in_dim3A_438] : memref<512x64xf32, #tpu.memory_space<vmem>>[vector<16xi32>, vector<16xi32>], vector<16xf32>,
      %gather3A_440 = tpu.vector_load_idx %arg9[%add3A_172, %broadcast_in_dim3A_438] : memref<512x64xf32, #tpu.memory_space<vmem>>[vector<16xi32>, vector<16xi32>], vector<16xf32>,
      %mul3A_441 = arith.mulf %gather3A_439, %gather3A_440 : vector<16xf32>
      %add3A_442 = arith.addf %add3A_436, %mul3A_441 : vector<16xf32>
      %broadcast_in_dim3A_443 = arith.constant 45 : i32
      %broadcast_in_dim3A_444 = vector.broadcast %broadcast_in_dim3A_443 : i32 to vector<16xi32>
      %gather3A_445 = tpu.vector_load_idx %arg8[%add3A_172, %broadcast_in_dim3A_444] : memref<512x64xf32, #tpu.memory_space<vmem>>[vector<16xi32>, vector<16xi32>], vector<16xf32>,
      %gather3A_446 = tpu.vector_load_idx %arg9[%add3A_172, %broadcast_in_dim3A_444] : memref<512x64xf32, #tpu.memory_space<vmem>>[vector<16xi32>, vector<16xi32>], vector<16xf32>,
      %mul3A_447 = arith.mulf %gather3A_445, %gather3A_446 : vector<16xf32>
      %add3A_448 = arith.addf %add3A_442, %mul3A_447 : vector<16xf32>
      %broadcast_in_dim3A_449 = arith.constant 46 : i32
      %broadcast_in_dim3A_450 = vector.broadcast %broadcast_in_dim3A_449 : i32 to vector<16xi32>
      %gather3A_451 = tpu.vector_load_idx %arg8[%add3A_172, %broadcast_in_dim3A_450] : memref<512x64xf32, #tpu.memory_space<vmem>>[vector<16xi32>, vector<16xi32>], vector<16xf32>,
      %gather3A_452 = tpu.vector_load_idx %arg9[%add3A_172, %broadcast_in_dim3A_450] : memref<512x64xf32, #tpu.memory_space<vmem>>[vector<16xi32>, vector<16xi32>], vector<16xf32>,
      %mul3A_453 = arith.mulf %gather3A_451, %gather3A_452 : vector<16xf32>
      %add3A_454 = arith.addf %add3A_448, %mul3A_453 : vector<16xf32>
      %broadcast_in_dim3A_455 = arith.constant 47 : i32
      %broadcast_in_dim3A_456 = vector.broadcast %broadcast_in_dim3A_455 : i32 to vector<16xi32>
      %gather3A_457 = tpu.vector_load_idx %arg8[%add3A_172, %broadcast_in_dim3A_456] : memref<512x64xf32, #tpu.memory_space<vmem>>[vector<16xi32>, vector<16xi32>], vector<16xf32>,
      %gather3A_458 = tpu.vector_load_idx %arg9[%add3A_172, %broadcast_in_dim3A_456] : memref<512x64xf32, #tpu.memory_space<vmem>>[vector<16xi32>, vector<16xi32>], vector<16xf32>,
      %mul3A_459 = arith.mulf %gather3A_457, %gather3A_458 : vector<16xf32>
      %add3A_460 = arith.addf %add3A_454, %mul3A_459 : vector<16xf32>
      %broadcast_in_dim3A_461 = arith.constant 48 : i32
      %broadcast_in_dim3A_462 = vector.broadcast %broadcast_in_dim3A_461 : i32 to vector<16xi32>
      %gather3A_463 = tpu.vector_load_idx %arg8[%add3A_172, %broadcast_in_dim3A_462] : memref<512x64xf32, #tpu.memory_space<vmem>>[vector<16xi32>, vector<16xi32>], vector<16xf32>,
      %gather3A_464 = tpu.vector_load_idx %arg9[%add3A_172, %broadcast_in_dim3A_462] : memref<512x64xf32, #tpu.memory_space<vmem>>[vector<16xi32>, vector<16xi32>], vector<16xf32>,
      %mul3A_465 = arith.mulf %gather3A_463, %gather3A_464 : vector<16xf32>
      %add3A_466 = arith.addf %add3A_460, %mul3A_465 : vector<16xf32>
      %broadcast_in_dim3A_467 = arith.constant 49 : i32
      %broadcast_in_dim3A_468 = vector.broadcast %broadcast_in_dim3A_467 : i32 to vector<16xi32>
      %gather3A_469 = tpu.vector_load_idx %arg8[%add3A_172, %broadcast_in_dim3A_468] : memref<512x64xf32, #tpu.memory_space<vmem>>[vector<16xi32>, vector<16xi32>], vector<16xf32>,
      %gather3A_470 = tpu.vector_load_idx %arg9[%add3A_172, %broadcast_in_dim3A_468] : memref<512x64xf32, #tpu.memory_space<vmem>>[vector<16xi32>, vector<16xi32>], vector<16xf32>,
      %mul3A_471 = arith.mulf %gather3A_469, %gather3A_470 : vector<16xf32>
      %add3A_472 = arith.addf %add3A_466, %mul3A_471 : vector<16xf32>
      %broadcast_in_dim3A_473 = arith.constant 50 : i32
      %broadcast_in_dim3A_474 = vector.broadcast %broadcast_in_dim3A_473 : i32 to vector<16xi32>
      %gather3A_475 = tpu.vector_load_idx %arg8[%add3A_172, %broadcast_in_dim3A_474] : memref<512x64xf32, #tpu.memory_space<vmem>>[vector<16xi32>, vector<16xi32>], vector<16xf32>,
      %gather3A_476 = tpu.vector_load_idx %arg9[%add3A_172, %broadcast_in_dim3A_474] : memref<512x64xf32, #tpu.memory_space<vmem>>[vector<16xi32>, vector<16xi32>], vector<16xf32>,
      %mul3A_477 = arith.mulf %gather3A_475, %gather3A_476 : vector<16xf32>
      %add3A_478 = arith.addf %add3A_472, %mul3A_477 : vector<16xf32>
      %broadcast_in_dim3A_479 = arith.constant 51 : i32
      %broadcast_in_dim3A_480 = vector.broadcast %broadcast_in_dim3A_479 : i32 to vector<16xi32>
      %gather3A_481 = tpu.vector_load_idx %arg8[%add3A_172, %broadcast_in_dim3A_480] : memref<512x64xf32, #tpu.memory_space<vmem>>[vector<16xi32>, vector<16xi32>], vector<16xf32>,
      %gather3A_482 = tpu.vector_load_idx %arg9[%add3A_172, %broadcast_in_dim3A_480] : memref<512x64xf32, #tpu.memory_space<vmem>>[vector<16xi32>, vector<16xi32>], vector<16xf32>,
      %mul3A_483 = arith.mulf %gather3A_481, %gather3A_482 : vector<16xf32>
      %add3A_484 = arith.addf %add3A_478, %mul3A_483 : vector<16xf32>
      %broadcast_in_dim3A_485 = arith.constant 52 : i32
      %broadcast_in_dim3A_486 = vector.broadcast %broadcast_in_dim3A_485 : i32 to vector<16xi32>
      %gather3A_487 = tpu.vector_load_idx %arg8[%add3A_172, %broadcast_in_dim3A_486] : memref<512x64xf32, #tpu.memory_space<vmem>>[vector<16xi32>, vector<16xi32>], vector<16xf32>,
      %gather3A_488 = tpu.vector_load_idx %arg9[%add3A_172, %broadcast_in_dim3A_486] : memref<512x64xf32, #tpu.memory_space<vmem>>[vector<16xi32>, vector<16xi32>], vector<16xf32>,
      %mul3A_489 = arith.mulf %gather3A_487, %gather3A_488 : vector<16xf32>
      %add3A_490 = arith.addf %add3A_484, %mul3A_489 : vector<16xf32>
      %broadcast_in_dim3A_491 = arith.constant 53 : i32
      %broadcast_in_dim3A_492 = vector.broadcast %broadcast_in_dim3A_491 : i32 to vector<16xi32>
      %gather3A_493 = tpu.vector_load_idx %arg8[%add3A_172, %broadcast_in_dim3A_492] : memref<512x64xf32, #tpu.memory_space<vmem>>[vector<16xi32>, vector<16xi32>], vector<16xf32>,
      %gather3A_494 = tpu.vector_load_idx %arg9[%add3A_172, %broadcast_in_dim3A_492] : memref<512x64xf32, #tpu.memory_space<vmem>>[vector<16xi32>, vector<16xi32>], vector<16xf32>,
      %mul3A_495 = arith.mulf %gather3A_493, %gather3A_494 : vector<16xf32>
      %add3A_496 = arith.addf %add3A_490, %mul3A_495 : vector<16xf32>
      %broadcast_in_dim3A_497 = arith.constant 54 : i32
      %broadcast_in_dim3A_498 = vector.broadcast %broadcast_in_dim3A_497 : i32 to vector<16xi32>
      %gather3A_499 = tpu.vector_load_idx %arg8[%add3A_172, %broadcast_in_dim3A_498] : memref<512x64xf32, #tpu.memory_space<vmem>>[vector<16xi32>, vector<16xi32>], vector<16xf32>,
      %gather3A_500 = tpu.vector_load_idx %arg9[%add3A_172, %broadcast_in_dim3A_498] : memref<512x64xf32, #tpu.memory_space<vmem>>[vector<16xi32>, vector<16xi32>], vector<16xf32>,
      %mul3A_501 = arith.mulf %gather3A_499, %gather3A_500 : vector<16xf32>
      %add3A_502 = arith.addf %add3A_496, %mul3A_501 : vector<16xf32>
      %broadcast_in_dim3A_503 = arith.constant 55 : i32
      %broadcast_in_dim3A_504 = vector.broadcast %broadcast_in_dim3A_503 : i32 to vector<16xi32>
      %gather3A_505 = tpu.vector_load_idx %arg8[%add3A_172, %broadcast_in_dim3A_504] : memref<512x64xf32, #tpu.memory_space<vmem>>[vector<16xi32>, vector<16xi32>], vector<16xf32>,
      %gather3A_506 = tpu.vector_load_idx %arg9[%add3A_172, %broadcast_in_dim3A_504] : memref<512x64xf32, #tpu.memory_space<vmem>>[vector<16xi32>, vector<16xi32>], vector<16xf32>,
      %mul3A_507 = arith.mulf %gather3A_505, %gather3A_506 : vector<16xf32>
      %add3A_508 = arith.addf %add3A_502, %mul3A_507 : vector<16xf32>
      %broadcast_in_dim3A_509 = arith.constant 56 : i32
      %broadcast_in_dim3A_510 = vector.broadcast %broadcast_in_dim3A_509 : i32 to vector<16xi32>
      %gather3A_511 = tpu.vector_load_idx %arg8[%add3A_172, %broadcast_in_dim3A_510] : memref<512x64xf32, #tpu.memory_space<vmem>>[vector<16xi32>, vector<16xi32>], vector<16xf32>,
      %gather3A_512 = tpu.vector_load_idx %arg9[%add3A_172, %broadcast_in_dim3A_510] : memref<512x64xf32, #tpu.memory_space<vmem>>[vector<16xi32>, vector<16xi32>], vector<16xf32>,
      %mul3A_513 = arith.mulf %gather3A_511, %gather3A_512 : vector<16xf32>
      %add3A_514 = arith.addf %add3A_508, %mul3A_513 : vector<16xf32>
      %broadcast_in_dim3A_515 = arith.constant 57 : i32
      %broadcast_in_dim3A_516 = vector.broadcast %broadcast_in_dim3A_515 : i32 to vector<16xi32>
      %gather3A_517 = tpu.vector_load_idx %arg8[%add3A_172, %broadcast_in_dim3A_516] : memref<512x64xf32, #tpu.memory_space<vmem>>[vector<16xi32>, vector<16xi32>], vector<16xf32>,
      %gather3A_518 = tpu.vector_load_idx %arg9[%add3A_172, %broadcast_in_dim3A_516] : memref<512x64xf32, #tpu.memory_space<vmem>>[vector<16xi32>, vector<16xi32>], vector<16xf32>,
      %mul3A_519 = arith.mulf %gather3A_517, %gather3A_518 : vector<16xf32>
      %add3A_520 = arith.addf %add3A_514, %mul3A_519 : vector<16xf32>
      %broadcast_in_dim3A_521 = arith.constant 58 : i32
      %broadcast_in_dim3A_522 = vector.broadcast %broadcast_in_dim3A_521 : i32 to vector<16xi32>
      %gather3A_523 = tpu.vector_load_idx %arg8[%add3A_172, %broadcast_in_dim3A_522] : memref<512x64xf32, #tpu.memory_space<vmem>>[vector<16xi32>, vector<16xi32>], vector<16xf32>,
      %gather3A_524 = tpu.vector_load_idx %arg9[%add3A_172, %broadcast_in_dim3A_522] : memref<512x64xf32, #tpu.memory_space<vmem>>[vector<16xi32>, vector<16xi32>], vector<16xf32>,
      %mul3A_525 = arith.mulf %gather3A_523, %gather3A_524 : vector<16xf32>
      %add3A_526 = arith.addf %add3A_520, %mul3A_525 : vector<16xf32>
      %broadcast_in_dim3A_527 = arith.constant 59 : i32
      %broadcast_in_dim3A_528 = vector.broadcast %broadcast_in_dim3A_527 : i32 to vector<16xi32>
      %gather3A_529 = tpu.vector_load_idx %arg8[%add3A_172, %broadcast_in_dim3A_528] : memref<512x64xf32, #tpu.memory_space<vmem>>[vector<16xi32>, vector<16xi32>], vector<16xf32>,
      %gather3A_530 = tpu.vector_load_idx %arg9[%add3A_172, %broadcast_in_dim3A_528] : memref<512x64xf32, #tpu.memory_space<vmem>>[vector<16xi32>, vector<16xi32>], vector<16xf32>,
      %mul3A_531 = arith.mulf %gather3A_529, %gather3A_530 : vector<16xf32>
      %add3A_532 = arith.addf %add3A_526, %mul3A_531 : vector<16xf32>
      %broadcast_in_dim3A_533 = arith.constant 60 : i32
      %broadcast_in_dim3A_534 = vector.broadcast %broadcast_in_dim3A_533 : i32 to vector<16xi32>
      %gather3A_535 = tpu.vector_load_idx %arg8[%add3A_172, %broadcast_in_dim3A_534] : memref<512x64xf32, #tpu.memory_space<vmem>>[vector<16xi32>, vector<16xi32>], vector<16xf32>,
      %gather3A_536 = tpu.vector_load_idx %arg9[%add3A_172, %broadcast_in_dim3A_534] : memref<512x64xf32, #tpu.memory_space<vmem>>[vector<16xi32>, vector<16xi32>], vector<16xf32>,
      %mul3A_537 = arith.mulf %gather3A_535, %gather3A_536 : vector<16xf32>
      %add3A_538 = arith.addf %add3A_532, %mul3A_537 : vector<16xf32>
      %broadcast_in_dim3A_539 = arith.constant 61 : i32
      %broadcast_in_dim3A_540 = vector.broadcast %broadcast_in_dim3A_539 : i32 to vector<16xi32>
      %gather3A_541 = tpu.vector_load_idx %arg8[%add3A_172, %broadcast_in_dim3A_540] : memref<512x64xf32, #tpu.memory_space<vmem>>[vector<16xi32>, vector<16xi32>], vector<16xf32>,
      %gather3A_542 = tpu.vector_load_idx %arg9[%add3A_172, %broadcast_in_dim3A_540] : memref<512x64xf32, #tpu.memory_space<vmem>>[vector<16xi32>, vector<16xi32>], vector<16xf32>,
      %mul3A_543 = arith.mulf %gather3A_541, %gather3A_542 : vector<16xf32>
      %add3A_544 = arith.addf %add3A_538, %mul3A_543 : vector<16xf32>
      %broadcast_in_dim3A_545 = arith.constant 62 : i32
      %broadcast_in_dim3A_546 = vector.broadcast %broadcast_in_dim3A_545 : i32 to vector<16xi32>
      %gather3A_547 = tpu.vector_load_idx %arg8[%add3A_172, %broadcast_in_dim3A_546] : memref<512x64xf32, #tpu.memory_space<vmem>>[vector<16xi32>, vector<16xi32>], vector<16xf32>,
      %gather3A_548 = tpu.vector_load_idx %arg9[%add3A_172, %broadcast_in_dim3A_546] : memref<512x64xf32, #tpu.memory_space<vmem>>[vector<16xi32>, vector<16xi32>], vector<16xf32>,
      %mul3A_549 = arith.mulf %gather3A_547, %gather3A_548 : vector<16xf32>
      %add3A_550 = arith.addf %add3A_544, %mul3A_549 : vector<16xf32>
      %broadcast_in_dim3A_551 = arith.constant 63 : i32
      %broadcast_in_dim3A_552 = vector.broadcast %broadcast_in_dim3A_551 : i32 to vector<16xi32>
      %gather3A_553 = tpu.vector_load_idx %arg8[%add3A_172, %broadcast_in_dim3A_552] : memref<512x64xf32, #tpu.memory_space<vmem>>[vector<16xi32>, vector<16xi32>], vector<16xf32>,
      %gather3A_554 = tpu.vector_load_idx %arg9[%add3A_172, %broadcast_in_dim3A_552] : memref<512x64xf32, #tpu.memory_space<vmem>>[vector<16xi32>, vector<16xi32>], vector<16xf32>,
      %mul3A_555 = arith.mulf %gather3A_553, %gather3A_554 : vector<16xf32>
      %add3A_556 = arith.addf %add3A_550, %mul3A_555 : vector<16xf32>
      %abs3A = math.absf %add3A_556 : vector<16xf32>
      %neg3A = arith.constant 0.000000e+00 : f32
      %neg3A_557 = vector.broadcast %neg3A : f32 to vector<16xf32>
      %neg3A_558 = arith.subf %neg3A_557, %abs3A : vector<16xf32>
      %exp3A = math.exp %neg3A_558 : vector<16xf32>
      %add3A_559 = arith.constant 1.000000e+00 : f32
      %add3A_560 = vector.broadcast %add3A_559 : f32 to vector<16xf32>
      %add3A_561 = arith.addf %add3A_560, %exp3A : vector<16xf32>
      %div3A = arith.constant 1.000000e+00 : f32
      %div3A_562 = vector.broadcast %div3A : f32 to vector<16xf32>
      %div3A_563 = arith.divf %div3A_562, %add3A_561 : vector<16xf32>
      %ge3A = arith.constant 0.000000e+00 : f32
      %ge3A_564 = vector.broadcast %ge3A : f32 to vector<16xf32>
      %ge3A_565 = arith.cmpf oge, %add3A_556, %ge3A_564 : vector<16xf32>
      %mul3A_566 = arith.mulf %exp3A, %div3A_563 : vector<16xf32>
      %select_n3A = arith.select %ge3A_565, %div3A_563, %mul3A_566 : vector<16xi1>, vector<16xf32>
      %mul3A_567 = arith.constant 16 : i32
      %mul3A_568 = arith.muli %scan3A_168, %mul3A_567 : i32
      %swap3A = arith.index_cast %mul3A_568 : i32 to index
      %swap3A_569 = tpu.vector_load %arg10[%swap3A] {strides = array<i32>} : memref<512xf32, #tpu.memory_space<vmem>>, vector<16xf32>,
      tpu.vector_store %arg10[%swap3A], %select_n3A {strides = array<i32>} : memref<512xf32, #tpu.memory_space<vmem>>, vector<16xf32>,
    }
    %scan3A_165 = arith.constant 32 : i32
    %mul3A_166 = arith.constant 512 : i32
    %mul3A_167 = arith.muli %add3A, %mul3A_166 : i32
    "tpu.region"() ({
      %run_scoped3A = tpu.sem_alloc : memref<!tpu.dma_semaphore, #tpu.memory_space<semaphore_mem>>
      %dma_start3A_168 = tpu.memref_slice %arg5[%mul3A_167] : memref<16384xf32, #tpu.memory_space<hbm>> -> memref<512xf32, #tpu.memory_space<hbm>>
      %dma_start3A_169 = tpu.memref_slice %arg5[%mul3A_167] : memref<16384xf32, #tpu.memory_space<hbm>> -> memref<512xf32, #tpu.memory_space<hbm>>
      tpu.enqueue_dma source(%arg10 : memref<512xf32, #tpu.memory_space<vmem>>) target(%dma_start3A_169 : memref<512xf32, #tpu.memory_space<hbm>>) target_semaphore(%run_scoped3A : memref<!tpu.dma_semaphore, #tpu.memory_space<semaphore_mem>>)
      %dma_wait3A_170 = tpu.memref_slice %arg5[%mul3A_167] : memref<16384xf32, #tpu.memory_space<hbm>> -> memref<512xf32, #tpu.memory_space<hbm>>
      %dma_wait3A_171 = tpu.memref_slice %arg5[%mul3A_167] : memref<16384xf32, #tpu.memory_space<hbm>> -> memref<512xf32, #tpu.memory_space<hbm>>
      tpu.wait_dma2 semaphore(%run_scoped3A : memref<!tpu.dma_semaphore, #tpu.memory_space<semaphore_mem>>) src(%arg10 : memref<512xf32, #tpu.memory_space<vmem>>) dst(%dma_wait3A_171 : memref<512xf32, #tpu.memory_space<hbm>>)
      tpu.yield
    }) : () -> ()
    return
  }
}

</mosaic_0001>

<sc_bundles>
// kernel: _run.3.cloned.1.call-start
scs
__scs_entry_jumppad:
0x0: {  	(pc) =	sbr.rel $0x88, $3  }
0x1: {  	(tag) =	ssettag $0x0;
	lr =	simm.s32 $0x1  }
0x2: {  	[smem:$0x3F9E] =	sst lr;
	_ =	strace $0xD0000000  }
0x3: {  	_ = 	snop  }
0x4: {  	_ = 	snop  }
0x5: {  	_ = 	snop  }
0x6: {  	_ = 	snop  }
0x7: {  	_ = 	snop  }
__scs_overlays_trampoline_lowered:
0x8: {  	[smem:$0x3FAD] =	sst s0  }
0x9: {  	[smem:$0x3FAE] =	sst s1  }
0xa: {  	[smem:$0x3FAF] =	sst s2  }
0xb: {  	[smem:$0x3FB0] =	sst s3  }
0xc: {  	[smem:$0x3FB1] =	sst s4  }
0xd: {  	[smem:$0x3FB2] =	sst s5  }
0xe: {  	[smem:$0x3FB3] =	sst s6  }
0xf: {  	[smem:$0x3FB4] =	sst s7  }
0x10: {  	[smem:$0x3FB5] =	sst s8  }
0x11: {  	[smem:$0x3FB6] =	sst s9;
	s0 =	simm.s32 @!p0 $0x0  }
0x12: {  	s1 =	sld [smem:$0x3F9C];
	s0 =	simm.s32 @p0 $0x1  }
0x13: {  	[smem:$0x3FB7] =	sst s0;
	s0 =	simm.s32 @!p1 $0x0  }
0x14: {  	s2 =	sld [smem:$0x3F9B];
	s0 =	simm.s32 @p1 $0x1  }
0x15: {  	[smem:$0x3FB8] =	sst s0;
	s0 =	simm.s32 @!p2 $0x0  }
0x16: {  	s3 =	sld [smem:$0x3FDB];
	s0 =	simm.s32 @p2 $0x1  }
0x17: {  	s4 =	simm.s32 $0x1BF5;
	[smem:$0x3FBA] =	sst s0  }
0x18: {  	s0 =	sld [smem:$0x3F9D];
	_ =	swait.ge [sflag:s4], $0x0  }
0x19: {  	s7 =	sld [smem:$0x3F9E]  }
0x1a: {  	s8 =	sadd.s32 $0xFFFFE003, lr  }
0x1b: {  	s9 =	sadd.s32 $0xFFFFFEF7, lr;
	s5 =	simm.s32 $0xFFFFFFFF;
	p2 =	slt.u32 s8, $0xFFFFF086  }
0x1c: {  	p1 =	slt.u32 s9, $0xF7A;
	s5 =	simm.s32 @!p2 $0x0  }
0x1d: {  	s5 =	simm.s32 @p1 $0x1;
	p0 =	seq.s32 s7, s2  }
0x1e: {  	s7 =	smul.u32 @!p0 $0xF7A, s2;
	p2 =	seq.s32 @!p0 s5, $0x0  }
0x1f: {  	s9 =	smul.u32 $0xF7A, s1;
	s8 =	simm.s32 @!p0 $0x1BF5;
	p2 =	por !p2, p0  }
0x20: {  	[sflag:s8] =	ssyncset.s32 @!p0 $0xFFFFF086;
	s6 =	sadd.s32 @!p0 s3, s7;
	s7 =	simm.s32 @!p0 $0x108  }
0x21: {  	s3 =	sadd.s32 s3, s9;
	s6 =	sadd.s32 @!p0 $0x88, s6;
	s7 =	simm.s32 @p2 $0x1082  }
0x22: {  	[simem:s7], [sflag:s8] =	dma.local @!p0 [hbm:s6], $0xF7A  }
0x23: {  	s9 =	sor.u32 $0xD0000000, s2;
	s6 =	simm.s32 $0x108;
	_ =	swait.ge @!p0 [sflag:s8], $0x0  }
0x24: {  	s3 =	sadd.s32 $0x88, s3;
	s6 =	simm.s32 @!p1 $0x1082;
	[sflag:s4] =	ssyncset.s32 $0xFFFFF086  }
0x25: {  	[simem:s6], [sflag:s4] =	dma.local [hbm:s3], $0xF7A  }
0x26: {  	[smem:$0x3F9E] =	sst s1;
	(tag) =	ssettag s2;
	_ =	strace s9  }
0x27: {  	s1 =	sld [smem:$0x3FAE]  }
0x28: {  	s2 =	sld [smem:$0x3FAF]  }
0x29: {  	s4 =	sld [smem:$0x3FB1]  }
0x2a: {  	p0 =	seq.s32 s5, $0x0;
	s5 =	sld [smem:$0x3FB2]  }
0x2b: {  	s6 =	sld [smem:$0x3FB3]  }
0x2c: {  	s7 =	sld [smem:$0x3FB4]  }
0x2d: {  	s3 =	simm.s32 $0x108;
	s8 =	sld [smem:$0x3FB5]  }
0x2e: {  	s3 =	simm.s32 @!p0 $0x1082;
	s9 =	sld [smem:$0x3FB6]  }
0x2f: {  	lr =	sadd.s32 s0, s3;
	s0 =	sld [smem:$0x3FAD]  }
0x30: {  	s3 =	sld [smem:$0x3FB0]  }
0x31: {  	[smem:$0x3FB9] =	sst s10  }
0x32: {  	s10 =	sld [smem:$0x3FB7];
	_ =	sdelay $0x3  }
0x33: {  	p0 =	seq.s32 s10, $0x1;
	s10 =	sld [smem:$0x3FB9];
	_ =	sdelay $0x3  }
0x34: {  	[smem:$0x3FB9] =	sst s10  }
0x35: {  	s10 =	sld [smem:$0x3FB8];
	_ =	sdelay $0x3  }
0x36: {  	p1 =	seq.s32 s10, $0x1;
	s10 =	sld [smem:$0x3FB9];
	_ =	sdelay $0x3  }
0x37: {  	[smem:$0x3FB9] =	sst s10  }
0x38: {  	s10 =	sld [smem:$0x3FBA]  }
0x39: {  	_ = 	snop;
	(pc) =	sbr.ind lr, $3  }
0x3a: {  	_ = 	snop  }
0x3b: {  	_ = 	snop  }
0x3c: {  	p2 =	seq.s32 s10, $0x1;
	s10 =	sld [smem:$0x3FB9]  }
0x3d: {  	_ =	shalt  }
0x3e: {  	_ =	shalt  }
0x3f: {  	_ =	shalt  }
0x40: {  	_ =	shalt  }
0x41: {  	_ =	shalt  }
0x42: {  	_ =	shalt  }
0x43: {  	_ =	shalt  }
0x44: {  	_ =	shalt  }
0x45: {  	_ =	shalt  }
0x46: {  	_ =	shalt  }
0x47: {  	_ =	shalt  }
0x48: {  	_ =	shalt  }
0x49: {  	_ =	shalt  }
0x4a: {  	_ =	shalt  }
0x4b: {  	_ =	shalt  }
0x4c: {  	_ =	shalt  }
0x4d: {  	_ =	shalt  }
0x4e: {  	_ =	shalt  }
0x4f: {  	_ =	shalt  }
0x50: {  	_ =	shalt  }
0x51: {  	_ =	shalt  }
0x52: {  	_ =	shalt  }
0x53: {  	_ =	shalt  }
0x54: {  	_ =	shalt  }
0x55: {  	_ =	shalt  }
0x56: {  	_ =	shalt  }
0x57: {  	_ =	shalt  }
0x58: {  	_ =	shalt  }
0x59: {  	_ =	shalt  }
0x5a: {  	_ =	shalt  }
0x5b: {  	_ =	shalt  }
0x5c: {  	_ =	shalt  }
0x5d: {  	_ =	shalt  }
0x5e: {  	_ =	shalt  }
0x5f: {  	_ =	shalt  }
0x60: {  	_ =	shalt  }
0x61: {  	_ =	shalt  }
0x62: {  	_ =	shalt  }
0x63: {  	_ =	shalt  }
0x64: {  	_ =	shalt  }
0x65: {  	_ =	shalt  }
0x66: {  	_ =	shalt  }
0x67: {  	_ =	shalt  }
0x68: {  	_ =	shalt  }
0x69: {  	_ =	shalt  }
0x6a: {  	_ =	shalt  }
0x6b: {  	_ =	shalt  }
0x6c: {  	_ =	shalt  }
0x6d: {  	_ =	shalt  }
0x6e: {  	_ =	shalt  }
0x6f: {  	_ =	shalt  }
0x70: {  	_ =	shalt  }
0x71: {  	_ =	shalt  }
0x72: {  	_ =	shalt  }
0x73: {  	_ =	shalt  }
0x74: {  	_ =	shalt  }
0x75: {  	_ =	shalt  }
0x76: {  	_ =	shalt  }
0x77: {  	_ =	shalt  }
0x78: {  	_ =	shalt  }
0x79: {  	_ =	shalt  }
0x7a: {  	_ =	shalt  }
0x7b: {  	_ =	shalt  }
0x7c: {  	_ =	shalt  }
0x7d: {  	_ =	shalt  }
0x7e: {  	_ =	shalt  }
0x7f: {  	_ =	shalt  }
0x80: {  	_ =	shalt  }
0x81: {  	_ =	shalt  }
0x82: {  	_ =	shalt  }
0x83: {  	_ =	shalt  }
0x84: {  	_ =	shalt  }
0x85: {  	_ =	shalt  }
0x86: {  	_ =	shalt  }
0x87: {  	_ =	shalt  }
.Lfunc_end0:
.L_simem_size_0:
called_computation_lowered:
.L_overlay_start_0:
0x88: {  	s2 =	sld [smem:$0x3FD9]  }
0x89: {  	s3 =	sld [smem:$0x3FFE];
	_ =	sdelay $0x1  }
0x8a: {  	s1 =	srdreg.scid  }
0x8b: {  	s0 =	sand.u32 $0x1, s1  }
0x8c: {  	s17 =	sshll.u32 s0, $0xA;
	s2 =	sadd.s32 s3, s2  }
0x8d: {  	s2 =	sadd.s32 s2, s17  }
0x8e: {  	[smem:$0x3FC5] =	sst s2  }
0x8f: {  	_ = 	snop  }
0x90: {  	s2 =	sld [smem:$0x3FC9]  }
0x91: {  	s18 =	sld [smem:$0x3FC8]  }
0x92: {  	s4 =	sld [smem:$0x3FD0];
	(tm) =	ssettm $0x1  }
0x93: {  	s5 =	sld [smem:$0x3FFB];
	_ =	sdelay $0x3  }
0x94: {  	_ =	strace s5  }
0x95: {  	s5 =	sld [smem:$0x3FFC];
	_ =	sdelay $0x3  }
0x96: {  	_ =	strace s5  }
0x97: {  	s5 =	sld [smem:$0x3FFD];
	_ =	sdelay $0x3  }
0x98: {  	_ =	strace s5  }
0x99: {  	_ =	strace $0x8FFFFFFF  }
0x9a: {  	s19 =	sld [smem:$0x3FDB];
	_ =	sdelay $0x1  }
0x9b: {  	s6 =	simm.s32 $_scs_section_size  }
0x9c: {  	s7 =	simm.s32 $_size__tile_overlayer_lowered;
	s8 =	simm.s32 $_tile_overlayer_lowered  }
0x9d: {  	s22 =	simm.s32 $0x1BFF;
	s21 =	sshll.u32 s8, $0x1;
	s5 =	sadd.s32 s6, s19  }
0x9e: {  	s9 =	simm.s32 $0x0;
	s20 =	sshll.u32 s7, $0x1;
	s7 =	sadd.s32 s21, s5  }
0x9f: {  	[timem:s9], [sflag:s22] =	dma.local [hbm:s7], s20  }
0xa0: {  	_ =	swait.ge [sflag:s22], s20  }
0xa1: {  	s6 =	ssub.s32 $0x0, s20;
	[sflag:s22] =	ssyncset.done $0x0  }
0xa2: {  	[sflag:s22] =	ssyncadd.s32 s6;
	_ =	sdelay $0x1  }
0xa3: {  	s23 =	simm.s32 $0x1B8B  }
0xa4: {  	_ =	swait.ge [sflag:s23], $0x1  }
0xa5: {  	[sflag:s23] =	ssyncset.done $0x0  }
0xa6: {  	s25 =	simm.s32 $0x1B8E;
	s24 =	sld [smem:$0x3FFE];
	[sflag:s23] =	ssyncadd.s32 $0xFFFFFFFF  }
0xa7: {  	s26 =	simm.s32 $execute0_lowered;
	[smem:$0x3FD2] =	sst s25  }
0xa8: {  	s7 =	sshll.u32 s26, $0x1;
	_ =	strace $0x80000046;
	[dreg:$0x1] =	wrdreg $0xFFFFFFFF  }
0xa9: {  	s28 =	simm.s32 $_size_execute0_lowered;
	s5 =	sadd.s32 s5, s7;
	[dreg:$0x0] =	wrdreg $0x0  }
0xaa: {  	s7 =	sshll.u32 s28, $0x1;
	[dreg:$0x2] =	wrdreg s5  }
0xab: {  	[dreg:$0x3] =	wrdreg s7  }
0xac: {  	[dreg:$0x4] =	wrdreg $0xC0  }
0xad: {  	_ =	task [dreg:s9], $0x5FFFF  }
0xae: {  	[dreg:$0x1] =	wrdreg $0xFFFFFFFF  }
0xaf: {  	[dreg:$0x0] =	wrdreg $0x60  }
0xb0: {  	[dreg:$0x2] =	wrdreg s2  }
0xb1: {  	[dreg:$0x3] =	wrdreg s18  }
0xb2: {  	[dreg:$0x4] =	wrdreg s24  }
0xb3: {  	[dreg:$0x5] =	wrdreg s4  }
0xb4: {  	[dreg:$0x6] =	wrdreg $0x9  }
0xb5: {  	_ =	task.clear_ibuf [dreg:s9], $0x7FFFF;
	_ =	strace $0x90000046  }
0xb6: {  	s29 =	simm.s32 $0x9;
	_ =	strace $0x80000048  }
0xb7: {  	_ =	swait.ge [sflag:s29], $0x1  }
0xb8: {  	[sflag:s29] =	ssyncadd.s32 $0xFFFFFFFF  }
0xb9: {  	_ =	strace $0x90000048  }
0xba: {  	_ =	sfence  }
0xbb: {  	s30 =	sld [smem:$0x0];
	_ =	sdelay $0x2  }
0xbc: {  	s31 =	sshll.u32 s1, $0xD;
	s1 =	sshrl.u32 s1, $0x2  }
0xbd: {  	s3 =	sand.u32 $0x4000, s31;
	s1 =	sadd.s32 s1, s30  }
0xbe: {  	s0 =	sor.u32 s3, s0;
	s1 =	sshll.u32 s1, $0x11  }
0xbf: {  	s0 =	sor.u32 s1, s0  }
0xc0: {  	s0 =	sadd.s32 $0x8F2B, s0  }
0xc1: {  	[sflag:s0] =	ssyncadd.remote.s32 $0x1  }
0xc2: {  	_ =	sfence.sel $0xFFFF  }
0xc3: {  	[dreg:$0x0] =	wrdreg $0xFFFFFFFF;
	(pc) =	sbr.abs _section_cstart, $3  }
0xc4: {  	[dreg:$0x1] =	wrdreg $0xFFFFFFFF  }
0xc5: {  	_ =	task.clear_ibuf [dreg:s9], $0x2FFFF;
	_ =	strace $0x9FFFFFFF  }
0xc6: {  	(tm) =	ssettm $0x7FFFFFFF  }
0xc7: {  	_ =	shalt  }
tec
execute0_lowered:
.L_overlay_start_1:
0x0: {  	(tag) =	ssettag $0x1  }
0x1: {  	s4 =	rddreg [dreg:$0x0]  }
0x2: {  	s5 =	rddreg [dreg:$0x1]  }
0x3: {  	s3 =	rddreg [dreg:$0x2]  }
0x4: {  	s6 =	rddreg [dreg:$0x3]  }
0x5: {  	s0 =	rddreg [dreg:$0x4]  }
0x6: {  	s2 =	simm.s32 $0x0;
	s7 =	srdreg.scid;
	s1 =	stileid.u32  }
0x7: {  	s11 =	simm.s32 $0x400;
	s12 =	simm.s32 $0x8400;
	s13 =	simm.s32 $0x2400  }
0x8: {  	s14 =	simm.s32 $0x280;
	s15 =	simm.s32 $0xA400;
	s16 =	simm.s32 $0x100  }
0x9: {  	s17 =	simm.s32 $0x4400;
	s18 =	simm.s32 $0x300;
	s19 =	simm.s32 $0xC400  }
0xa: {  	s20 =	simm.s32 $0x180;
	s21 =	simm.s32 $0x6400;
	s22 =	simm.s32 $0x380  }
0xb: {  	s23 =	simm.s32 $0xE400;
	s24 =	simm.s32 $0x1;
	s25 =	simm.s32 $0x10400  }
0xc: {  	s26 =	simm.s32 $0x0;
	[smem:$0x7FF] =	sst s2;
	s7 =	sand.u32 $0x1, s7  }
0xd: {  	s9 =	sshll.u32 s1, $0x7;
	s3 =	sadd.s32 $0xF42800, s3;
	s8 =	ssub.s32 $0x2, s7  }
0xe: {  	_ =	strace $0x80000047;
	s7 =	sshll.u32 s7, $0x6;
	s10 =	sshrl.u32 s8, $0x1  }
0xf: {  	v0 =	vlaneseq.u32;
	s7 =	sor.u32 s7, s9;
	s9 =	simm.s32 $0x200;
	s8 =	ssub.s32 s8, s10  }
0x10: {  	v0 =	vmul.u32 $0x40, v0;
	s4 =	sadd.s32 s4, s7;
	s5 =	sadd.s32 s5, s7;
	s6 =	sadd.s32 s6, s7  }
0x11: {  	s10 =	simm.s32 $0x80;
	s7 =	smax.u32 s8, $0x1;
	s8 =	simm.s32 $0x2  }
.LBB2_1:
0x12: {  	[tilespmem:s2], [sflag:$0x2] =	stream.linear.gather [hbm4b:s4+s2], $0x200, $0x38;
	[tilespmem:$0x10600] =	vst v63  }
0x13: {  	_ =	swait.ge [sflag:s8], $0x200  }
0x14: {  	[sflag:s8] =	ssyncset.done $0x0  }
0x15: {  	[sflag:s8] =	ssyncadd.s32 $0xFFFFFE00  }
0x16: {  	[tilespmem:s9], [sflag:$0x2] =	stream.linear.gather [hbm4b:s5+s2], $0x200, $0x38;
	[tilespmem:$0x10600] =	vst v63  }
0x17: {  	_ =	swait.ge [sflag:s8], $0x200  }
0x18: {  	[sflag:s8] =	ssyncset.done $0x0  }
0x19: {  	[sflag:s8] =	ssyncadd.s32 $0xFFFFFE00  }
0x1a: {  	[tilespmem:s11], [sflag:$0x1] =	stream.indirect.gather [hbm4b:s3+s10], $0x40, s2, s10, $0xb8;
	[tilespmem:$0x10600] =	vst v63  }
0x1b: {  	_ = 	snop  }
0x1c: {  	[tilespmem:s12], [sflag:$0x1] =	stream.indirect.gather [hbm4b:s3+s10], $0x40, s9, s10, $0xb8;
	[tilespmem:$0x10600] =	vst v63  }
0x1d: {  	_ = 	snop  }
0x1e: {  	[tilespmem:s13], [sflag:$0x1] =	stream.indirect.gather [hbm4b:s3+s10], $0x40, s10, s10, $0xb8;
	[tilespmem:$0x10600] =	vst v63  }
0x1f: {  	_ = 	snop  }
0x20: {  	[tilespmem:s15], [sflag:$0x1] =	stream.indirect.gather [hbm4b:s3+s10], $0x40, s14, s10, $0xb8;
	[tilespmem:$0x10600] =	vst v63  }
0x21: {  	_ = 	snop  }
0x22: {  	[tilespmem:s17], [sflag:$0x1] =	stream.indirect.gather [hbm4b:s3+s10], $0x40, s16, s10, $0xb8;
	[tilespmem:$0x10600] =	vst v63  }
0x23: {  	_ = 	snop  }
0x24: {  	[tilespmem:s19], [sflag:$0x1] =	stream.indirect.gather [hbm4b:s3+s10], $0x40, s18, s10, $0xb8;
	[tilespmem:$0x10600] =	vst v63  }
0x25: {  	_ = 	snop  }
0x26: {  	[tilespmem:s21], [sflag:$0x1] =	stream.indirect.gather [hbm4b:s3+s10], $0x40, s20, s10, $0xb8;
	[tilespmem:$0x10600] =	vst v63  }
0x27: {  	_ = 	snop  }
0x28: {  	[tilespmem:s23], [sflag:$0x1] =	stream.indirect.gather [hbm4b:s3+s10], $0x40, s22, s10, $0xb8;
	[tilespmem:$0x10600] =	vst v63  }
0x29: {  	_ =	swait.ge [sflag:s24], $0x2000  }
0x2a: {  	[sflag:s24] =	ssyncset.done $0x0  }
0x2b: {  	[sflag:s24] =	ssyncadd.s32 $0xFFFFE000  }
0x2c: {  	_ =	swait.ge [sflag:s24], $0x2000  }
0x2d: {  	[sflag:s24] =	ssyncset.done $0x0  }
0x2e: {  	[sflag:s24] =	ssyncadd.s32 $0xFFFFE000  }
0x2f: {  	_ =	swait.ge [sflag:s24], $0x2000  }
0x30: {  	[sflag:s24] =	ssyncset.done $0x0  }
0x31: {  	[sflag:s24] =	ssyncadd.s32 $0xFFFFE000  }
0x32: {  	_ =	swait.ge [sflag:s24], $0x2000  }
0x33: {  	[sflag:s24] =	ssyncset.done $0x0  }
0x34: {  	[sflag:s24] =	ssyncadd.s32 $0xFFFFE000  }
0x35: {  	_ =	swait.ge [sflag:s24], $0x2000  }
0x36: {  	[sflag:s24] =	ssyncset.done $0x0  }
0x37: {  	[sflag:s24] =	ssyncadd.s32 $0xFFFFE000  }
0x38: {  	_ =	swait.ge [sflag:s24], $0x2000  }
0x39: {  	[sflag:s24] =	ssyncset.done $0x0  }
0x3a: {  	v1 =	vmov s2;
	[sflag:s24] =	ssyncadd.s32 $0xFFFFE000  }
0x3b: {  	v1 =	vshll.u32 v1, $0x6;
	_ =	swait.ge [sflag:s24], $0x2000  }
0x3c: {  	v1 =	vor.u32 v0, v1;
	[sflag:s24] =	ssyncset.done $0x0  }
0x3d: {  	[sflag:s24] =	ssyncadd.s32 $0xFFFFE000  }
0x3e: {  	v2 =	vor.u32 $0x1, v1;
	_ =	swait.ge [sflag:s24], $0x2000  }
0x3f: {  	[sflag:s24] =	ssyncset.done $0x0  }
0x40: {  	v3 =	vor.u32 $0x2, v1;
	[sflag:s24] =	ssyncadd.s32 $0xFFFFE000  }
0x41: {  	v4 =	vld.idx.msk [tilespmem:v1+s12+$0x0], $0xffff  }
0x42: {  	v6 =	vor.u32 $0x3, v1;
	v5 =	vld.idx.msk [tilespmem:v1+s11+$0x0], $0xffff  }
0x43: {  	v7 =	vld.idx.msk [tilespmem:v2+s12+$0x0], $0xffff  }
0x44: {  	v8 =	vor.u32 $0x4, v1;
	v2 =	vld.idx.msk [tilespmem:v2+s11+$0x0], $0xffff  }
0x45: {  	v9 =	vld.idx.msk [tilespmem:v3+s12+$0x0], $0xffff  }
0x46: {  	v10 =	vor.u32 $0x5, v1;
	v3 =	vld.idx.msk [tilespmem:v3+s11+$0x0], $0xffff  }
0x47: {  	v11 =	vld.idx.msk [tilespmem:v6+s12+$0x0], $0xffff;
	v4 =	vmul.f32 v4, v5  }
0x48: {  	v29 =	vor.u32 $0x6, v1;
	v5 =	vld.idx.msk [tilespmem:v6+s11+$0x0], $0xffff  }
0x49: {  	v12 =	vld.idx.msk [tilespmem:v8+s12+$0x0], $0xffff;
	v2 =	vmul.f32 v7, v2;
	v4 =	vadd.f32 $0.0e+00, v4  }
0x4a: {  	v31 =	vor.u32 $0x7, v1;
	v30 =	vld.idx.msk [tilespmem:v8+s11+$0x0], $0xffff  }
0x4b: {  	v13 =	vld.idx.msk [tilespmem:v10+s12+$0x0], $0xffff;
	v3 =	vmul.f32 v9, v3;
	v2 =	vadd.f32 v2, v4  }
0x4c: {  	v32 =	vor.u32 $0x8, v1;
	v4 =	vld.idx.msk [tilespmem:v10+s11+$0x0], $0xffff  }
0x4d: {  	v33 =	vld.idx.msk [tilespmem:v29+s12+$0x0], $0xffff;
	v2 =	vadd.f32 v3, v2;
	v3 =	vmul.f32 v11, v5  }
0x4e: {  	v34 =	vor.u32 $0x9, v1;
	v5 =	vld.idx.msk [tilespmem:v29+s11+$0x0], $0xffff  }
0x4f: {  	v35 =	vld.idx.msk [tilespmem:v31+s12+$0x0], $0xffff;
	v2 =	vadd.f32 v3, v2;
	v3 =	vmul.f32 v12, v30  }
0x50: {  	v37 =	vor.u32 $0xA, v1;
	v36 =	vld.idx.msk [tilespmem:v31+s11+$0x0], $0xffff  }
0x51: {  	v38 =	vld.idx.msk [tilespmem:v32+s12+$0x0], $0xffff;
	v2 =	vadd.f32 v3, v2;
	v3 =	vmul.f32 v13, v4  }
0x52: {  	v39 =	vor.u32 $0xB, v1;
	v4 =	vld.idx.msk [tilespmem:v32+s11+$0x0], $0xffff  }
0x53: {  	v40 =	vld.idx.msk [tilespmem:v34+s12+$0x0], $0xffff;
	v2 =	vadd.f32 v3, v2;
	v3 =	vmul.f32 v33, v5  }
0x54: {  	v41 =	vor.u32 $0xC, v1;
	v5 =	vld.idx.msk [tilespmem:v34+s11+$0x0], $0xffff  }
0x55: {  	v42 =	vld.idx.msk [tilespmem:v37+s12+$0x0], $0xffff;
	v2 =	vadd.f32 v3, v2;
	v3 =	vmul.f32 v35, v36  }
0x56: {  	v44 =	vor.u32 $0xD, v1;
	v43 =	vld.idx.msk [tilespmem:v37+s11+$0x0], $0xffff  }
0x57: {  	v45 =	vld.idx.msk [tilespmem:v39+s12+$0x0], $0xffff;
	v2 =	vadd.f32 v3, v2;
	v3 =	vmul.f32 v38, v4  }
0x58: {  	v46 =	vor.u32 $0xE, v1;
	v4 =	vld.idx.msk [tilespmem:v39+s11+$0x0], $0xffff  }
0x59: {  	v47 =	vld.idx.msk [tilespmem:v41+s12+$0x0], $0xffff;
	v2 =	vadd.f32 v3, v2;
	v3 =	vmul.f32 v40, v5  }
0x5a: {  	v48 =	vor.u32 $0xF, v1;
	v5 =	vld.idx.msk [tilespmem:v41+s11+$0x0], $0xffff  }
0x5b: {  	v49 =	vld.idx.msk [tilespmem:v44+s12+$0x0], $0xffff;
	v2 =	vadd.f32 v3, v2;
	v3 =	vmul.f32 v42, v43  }
0x5c: {  	v51 =	vor.u32 $0x10, v1;
	v50 =	vld.idx.msk [tilespmem:v44+s11+$0x0], $0xffff  }
0x5d: {  	v52 =	vld.idx.msk [tilespmem:v46+s12+$0x0], $0xffff;
	v2 =	vadd.f32 v3, v2;
	v3 =	vmul.f32 v45, v4  }
0x5e: {  	v53 =	vor.u32 $0x11, v1;
	v4 =	vld.idx.msk [tilespmem:v46+s11+$0x0], $0xffff  }
0x5f: {  	v54 =	vld.idx.msk [tilespmem:v48+s12+$0x0], $0xffff;
	v2 =	vadd.f32 v3, v2;
	v3 =	vmul.f32 v47, v5  }
0x60: {  	v55 =	vor.u32 $0x12, v1;
	v5 =	vld.idx.msk [tilespmem:v48+s11+$0x0], $0xffff  }
0x61: {  	v56 =	vld.idx.msk [tilespmem:v51+s12+$0x0], $0xffff;
	v2 =	vadd.f32 v3, v2;
	v3 =	vmul.f32 v49, v50  }
0x62: {  	v58 =	vor.u32 $0x13, v1;
	v57 =	vld.idx.msk [tilespmem:v51+s11+$0x0], $0xffff  }
0x63: {  	v59 =	vld.idx.msk [tilespmem:v53+s12+$0x0], $0xffff;
	v2 =	vadd.f32 v3, v2;
	v3 =	vmul.f32 v52, v4  }
0x64: {  	v60 =	vor.u32 $0x14, v1;
	v4 =	vld.idx.msk [tilespmem:v53+s11+$0x0], $0xffff  }
0x65: {  	v61 =	vld.idx.msk [tilespmem:v55+s12+$0x0], $0xffff;
	v2 =	vadd.f32 v3, v2;
	v3 =	vmul.f32 v54, v5  }
0x66: {  	v62 =	vor.u32 $0x15, v1;
	v5 =	vld.idx.msk [tilespmem:v55+s11+$0x0], $0xffff  }
0x67: {  	v63 =	vld.idx.msk [tilespmem:v58+s12+$0x0], $0xffff;
	v2 =	vadd.f32 v3, v2;
	v3 =	vmul.f32 v56, v57  }
0x68: {  	v17 =	vor.u32 $0x16, v1;
	v16 =	vld.idx.msk [tilespmem:v58+s11+$0x0], $0xffff  }
0x69: {  	v18 =	vld.idx.msk [tilespmem:v60+s12+$0x0], $0xffff;
	v2 =	vadd.f32 v3, v2;
	v3 =	vmul.f32 v59, v4  }
0x6a: {  	v19 =	vor.u32 $0x17, v1;
	v4 =	vld.idx.msk [tilespmem:v60+s11+$0x0], $0xffff  }
0x6b: {  	v20 =	vld.idx.msk [tilespmem:v62+s12+$0x0], $0xffff;
	v2 =	vadd.f32 v3, v2;
	v3 =	vmul.f32 v61, v5  }
0x6c: {  	v21 =	vor.u32 $0x18, v1;
	v5 =	vld.idx.msk [tilespmem:v62+s11+$0x0], $0xffff  }
0x6d: {  	v22 =	vld.idx.msk [tilespmem:v17+s12+$0x0], $0xffff;
	v2 =	vadd.f32 v3, v2;
	v3 =	vmul.f32 v63, v16  }
0x6e: {  	v24 =	vor.u32 $0x19, v1;
	v23 =	vld.idx.msk [tilespmem:v17+s11+$0x0], $0xffff  }
0x6f: {  	v25 =	vld.idx.msk [tilespmem:v19+s12+$0x0], $0xffff;
	v2 =	vadd.f32 v3, v2;
	v3 =	vmul.f32 v18, v4  }
0x70: {  	v26 =	vor.u32 $0x1A, v1;
	v4 =	vld.idx.msk [tilespmem:v19+s11+$0x0], $0xffff  }
0x71: {  	v27 =	vld.idx.msk [tilespmem:v21+s12+$0x0], $0xffff;
	v2 =	vadd.f32 v3, v2;
	v3 =	vmul.f32 v20, v5  }
0x72: {  	v28 =	vor.u32 $0x1B, v1;
	v5 =	vld.idx.msk [tilespmem:v21+s11+$0x0], $0xffff  }
0x73: {  	v29 =	vld.idx.msk [tilespmem:v24+s12+$0x0], $0xffff;
	v2 =	vadd.f32 v3, v2;
	v3 =	vmul.f32 v22, v23  }
0x74: {  	v31 =	vor.u32 $0x1C, v1;
	v30 =	vld.idx.msk [tilespmem:v24+s11+$0x0], $0xffff  }
0x75: {  	v32 =	vld.idx.msk [tilespmem:v26+s12+$0x0], $0xffff;
	v2 =	vadd.f32 v3, v2;
	v3 =	vmul.f32 v25, v4  }
0x76: {  	v33 =	vor.u32 $0x1D, v1;
	v4 =	vld.idx.msk [tilespmem:v26+s11+$0x0], $0xffff  }
0x77: {  	v34 =	vld.idx.msk [tilespmem:v28+s12+$0x0], $0xffff;
	v2 =	vadd.f32 v3, v2;
	v3 =	vmul.f32 v27, v5  }
0x78: {  	v35 =	vor.u32 $0x1E, v1;
	v5 =	vld.idx.msk [tilespmem:v28+s11+$0x0], $0xffff  }
0x79: {  	v37 =	vld.idx.msk [tilespmem:v31+s11+$0x0], $0xffff;
	v2 =	vadd.f32 v3, v2;
	v3 =	vmul.f32 v29, v30  }
0x7a: {  	v36 =	vld.idx.msk [tilespmem:v31+s12+$0x0], $0xffff;
	v38 =	vor.u32 $0x1F, v1  }
0x7b: {  	v39 =	vld.idx.msk [tilespmem:v33+s12+$0x0], $0xffff;
	v2 =	vadd.f32 v3, v2;
	v3 =	vmul.f32 v32, v4  }
0x7c: {  	v40 =	vor.u32 $0x20, v1;
	v4 =	vld.idx.msk [tilespmem:v33+s11+$0x0], $0xffff  }
0x7d: {  	v41 =	vld.idx.msk [tilespmem:v35+s12+$0x0], $0xffff;
	v2 =	vadd.f32 v3, v2;
	v3 =	vmul.f32 v34, v5  }
0x7e: {  	v42 =	vor.u32 $0x21, v1;
	v5 =	vld.idx.msk [tilespmem:v35+s11+$0x0], $0xffff  }
0x7f: {  	v43 =	vld.idx.msk [tilespmem:v38+s12+$0x0], $0xffff;
	v2 =	vadd.f32 v3, v2;
	v3 =	vmul.f32 v36, v37  }
0x80: {  	v44 =	vld.idx.msk [tilespmem:v38+s11+$0x0], $0xffff;
	v45 =	vor.u32 $0x22, v1  }
0x81: {  	v46 =	vld.idx.msk [tilespmem:v40+s12+$0x0], $0xffff;
	v2 =	vadd.f32 v3, v2;
	v3 =	vmul.f32 v39, v4  }
0x82: {  	v47 =	vor.u32 $0x23, v1;
	v4 =	vld.idx.msk [tilespmem:v40+s11+$0x0], $0xffff  }
0x83: {  	v48 =	vld.idx.msk [tilespmem:v42+s12+$0x0], $0xffff;
	v2 =	vadd.f32 v3, v2;
	v3 =	vmul.f32 v41, v5  }
0x84: {  	v49 =	vor.u32 $0x24, v1;
	v5 =	vld.idx.msk [tilespmem:v42+s11+$0x0], $0xffff  }
0x85: {  	v50 =	vld.idx.msk [tilespmem:v45+s12+$0x0], $0xffff;
	v2 =	vadd.f32 v3, v2;
	v3 =	vmul.f32 v43, v44  }
0x86: {  	v51 =	vld.idx.msk [tilespmem:v45+s11+$0x0], $0xffff;
	v52 =	vor.u32 $0x25, v1  }
0x87: {  	v53 =	vld.idx.msk [tilespmem:v47+s12+$0x0], $0xffff;
	v2 =	vadd.f32 v3, v2;
	v3 =	vmul.f32 v46, v4  }
0x88: {  	v54 =	vor.u32 $0x26, v1;
	v4 =	vld.idx.msk [tilespmem:v47+s11+$0x0], $0xffff  }
0x89: {  	v55 =	vld.idx.msk [tilespmem:v49+s12+$0x0], $0xffff;
	v2 =	vadd.f32 v3, v2;
	v3 =	vmul.f32 v48, v5  }
0x8a: {  	v56 =	vor.u32 $0x27, v1;
	v5 =	vld.idx.msk [tilespmem:v49+s11+$0x0], $0xffff  }
0x8b: {  	v57 =	vld.idx.msk [tilespmem:v52+s12+$0x0], $0xffff;
	v2 =	vadd.f32 v3, v2;
	v3 =	vmul.f32 v50, v51  }
0x8c: {  	v58 =	vld.idx.msk [tilespmem:v52+s11+$0x0], $0xffff;
	v59 =	vor.u32 $0x28, v1  }
0x8d: {  	v60 =	vld.idx.msk [tilespmem:v54+s12+$0x0], $0xffff;
	v2 =	vadd.f32 v3, v2;
	v3 =	vmul.f32 v53, v4  }
0x8e: {  	v61 =	vor.u32 $0x29, v1;
	v4 =	vld.idx.msk [tilespmem:v54+s11+$0x0], $0xffff  }
0x8f: {  	v62 =	vld.idx.msk [tilespmem:v56+s12+$0x0], $0xffff;
	v2 =	vadd.f32 v3, v2;
	v3 =	vmul.f32 v55, v5  }
0x90: {  	v63 =	vor.u32 $0x2A, v1;
	v5 =	vld.idx.msk [tilespmem:v56+s11+$0x0], $0xffff  }
0x91: {  	v16 =	vld.idx.msk [tilespmem:v59+s12+$0x0], $0xffff;
	v2 =	vadd.f32 v3, v2;
	v3 =	vmul.f32 v57, v58  }
0x92: {  	v17 =	vld.idx.msk [tilespmem:v59+s11+$0x0], $0xffff;
	v18 =	vor.u32 $0x2B, v1  }
0x93: {  	v19 =	vld.idx.msk [tilespmem:v61+s12+$0x0], $0xffff;
	v2 =	vadd.f32 v3, v2;
	v3 =	vmul.f32 v60, v4  }
0x94: {  	v20 =	vor.u32 $0x2C, v1;
	v4 =	vld.idx.msk [tilespmem:v61+s11+$0x0], $0xffff  }
0x95: {  	v21 =	vld.idx.msk [tilespmem:v63+s12+$0x0], $0xffff;
	v2 =	vadd.f32 v3, v2;
	v3 =	vmul.f32 v62, v5  }
0x96: {  	v22 =	vor.u32 $0x2D, v1;
	v5 =	vld.idx.msk [tilespmem:v63+s11+$0x0], $0xffff  }
0x97: {  	v23 =	vld.idx.msk [tilespmem:v18+s12+$0x0], $0xffff;
	v2 =	vadd.f32 v3, v2;
	v3 =	vmul.f32 v16, v17  }
0x98: {  	v24 =	vld.idx.msk [tilespmem:v18+s11+$0x0], $0xffff;
	v25 =	vor.u32 $0x2E, v1  }
0x99: {  	v26 =	vld.idx.msk [tilespmem:v20+s12+$0x0], $0xffff;
	v2 =	vadd.f32 v3, v2;
	v3 =	vmul.f32 v19, v4  }
0x9a: {  	v27 =	vor.u32 $0x2F, v1;
	v4 =	vld.idx.msk [tilespmem:v20+s11+$0x0], $0xffff  }
0x9b: {  	v28 =	vld.idx.msk [tilespmem:v22+s12+$0x0], $0xffff;
	v2 =	vadd.f32 v3, v2;
	v3 =	vmul.f32 v21, v5  }
0x9c: {  	v29 =	vor.u32 $0x30, v1;
	v5 =	vld.idx.msk [tilespmem:v22+s11+$0x0], $0xffff  }
0x9d: {  	v30 =	vld.idx.msk [tilespmem:v25+s12+$0x0], $0xffff;
	v2 =	vadd.f32 v3, v2;
	v3 =	vmul.f32 v23, v24  }
0x9e: {  	v31 =	vld.idx.msk [tilespmem:v25+s11+$0x0], $0xffff;
	v32 =	vor.u32 $0x31, v1  }
0x9f: {  	v33 =	vld.idx.msk [tilespmem:v27+s12+$0x0], $0xffff;
	v2 =	vadd.f32 v3, v2;
	v3 =	vmul.f32 v26, v4  }
0xa0: {  	v34 =	vor.u32 $0x32, v1;
	v4 =	vld.idx.msk [tilespmem:v27+s11+$0x0], $0xffff  }
0xa1: {  	v35 =	vld.idx.msk [tilespmem:v29+s12+$0x0], $0xffff;
	v2 =	vadd.f32 v3, v2;
	v3 =	vmul.f32 v28, v5  }
0xa2: {  	v36 =	vor.u32 $0x33, v1;
	v5 =	vld.idx.msk [tilespmem:v29+s11+$0x0], $0xffff  }
0xa3: {  	v37 =	vld.idx.msk [tilespmem:v32+s12+$0x0], $0xffff;
	v2 =	vadd.f32 v3, v2;
	v3 =	vmul.f32 v30, v31  }
0xa4: {  	v38 =	vld.idx.msk [tilespmem:v32+s11+$0x0], $0xffff;
	v39 =	vor.u32 $0x34, v1  }
0xa5: {  	v40 =	vld.idx.msk [tilespmem:v34+s12+$0x0], $0xffff;
	v2 =	vadd.f32 v3, v2;
	v3 =	vmul.f32 v33, v4  }
0xa6: {  	v41 =	vor.u32 $0x35, v1;
	v4 =	vld.idx.msk [tilespmem:v34+s11+$0x0], $0xffff  }
0xa7: {  	v42 =	vld.idx.msk [tilespmem:v36+s12+$0x0], $0xffff;
	v2 =	vadd.f32 v3, v2;
	v3 =	vmul.f32 v35, v5  }
0xa8: {  	v43 =	vor.u32 $0x36, v1;
	v5 =	vld.idx.msk [tilespmem:v36+s11+$0x0], $0xffff  }
0xa9: {  	v44 =	vld.idx.msk [tilespmem:v39+s12+$0x0], $0xffff;
	v2 =	vadd.f32 v3, v2;
	v3 =	vmul.f32 v37, v38  }
0xaa: {  	v45 =	vld.idx.msk [tilespmem:v39+s11+$0x0], $0xffff;
	v46 =	vor.u32 $0x37, v1  }
0xab: {  	v47 =	vld.idx.msk [tilespmem:v41+s12+$0x0], $0xffff;
	v2 =	vadd.f32 v3, v2;
	v3 =	vmul.f32 v40, v4  }
0xac: {  	v48 =	vor.u32 $0x38, v1;
	v4 =	vld.idx.msk [tilespmem:v41+s11+$0x0], $0xffff  }
0xad: {  	v49 =	vld.idx.msk [tilespmem:v43+s12+$0x0], $0xffff;
	v2 =	vadd.f32 v3, v2;
	v3 =	vmul.f32 v42, v5  }
0xae: {  	v50 =	vor.u32 $0x39, v1;
	v5 =	vld.idx.msk [tilespmem:v43+s11+$0x0], $0xffff  }
0xaf: {  	v51 =	vld.idx.msk [tilespmem:v46+s12+$0x0], $0xffff;
	v2 =	vadd.f32 v3, v2;
	v3 =	vmul.f32 v44, v45  }
0xb0: {  	v52 =	vld.idx.msk [tilespmem:v46+s11+$0x0], $0xffff;
	v53 =	vor.u32 $0x3A, v1  }
0xb1: {  	v54 =	vld.idx.msk [tilespmem:v48+s12+$0x0], $0xffff;
	v2 =	vadd.f32 v3, v2;
	v3 =	vmul.f32 v47, v4  }
0xb2: {  	v55 =	vor.u32 $0x3B, v1;
	v4 =	vld.idx.msk [tilespmem:v48+s11+$0x0], $0xffff  }
0xb3: {  	v56 =	vld.idx.msk [tilespmem:v50+s12+$0x0], $0xffff;
	v2 =	vadd.f32 v3, v2;
	v3 =	vmul.f32 v49, v5  }
0xb4: {  	v57 =	vor.u32 $0x3C, v1;
	v5 =	vld.idx.msk [tilespmem:v50+s11+$0x0], $0xffff  }
0xb5: {  	v58 =	vld.idx.msk [tilespmem:v53+s12+$0x0], $0xffff;
	v2 =	vadd.f32 v3, v2;
	v3 =	vmul.f32 v51, v52  }
0xb6: {  	v59 =	vld.idx.msk [tilespmem:v53+s11+$0x0], $0xffff;
	v60 =	vor.u32 $0x3D, v1  }
0xb7: {  	v61 =	vld.idx.msk [tilespmem:v55+s12+$0x0], $0xffff;
	v2 =	vadd.f32 v3, v2;
	v3 =	vmul.f32 v54, v4  }
0xb8: {  	v62 =	vor.u32 $0x3E, v1;
	v4 =	vld.idx.msk [tilespmem:v55+s11+$0x0], $0xffff  }
0xb9: {  	v63 =	vld.idx.msk [tilespmem:v57+s12+$0x0], $0xffff;
	v2 =	vadd.f32 v3, v2;
	v3 =	vmul.f32 v56, v5  }
0xba: {  	v1 =	vor.u32 $0x3F, v1;
	v5 =	vld.idx.msk [tilespmem:v57+s11+$0x0], $0xffff  }
0xbb: {  	v13 =	vld.idx.msk [tilespmem:v60+s12+$0x0], $0xffff;
	v2 =	vadd.f32 v3, v2;
	v3 =	vmul.f32 v58, v59  }
0xbc: {  	v14 =	vld.idx.msk [tilespmem:v60+s11+$0x0], $0xffff  }
0xbd: {  	v15 =	vld.idx.msk [tilespmem:v62+s12+$0x0], $0xffff;
	v2 =	vadd.f32 v3, v2;
	v3 =	vmul.f32 v61, v4  }
0xbe: {  	v4 =	vld.idx.msk [tilespmem:v62+s11+$0x0], $0xffff  }
0xbf: {  	v16 =	vld.idx.msk [tilespmem:v1+s12+$0x0], $0xffff;
	v2 =	vadd.f32 v3, v2;
	v3 =	vmul.f32 v63, v5  }
0xc0: {  	v1 =	vld.idx.msk [tilespmem:v1+s11+$0x0], $0xffff  }
0xc1: {  	v2 =	vadd.f32 v3, v2;
	v3 =	vmul.f32 v13, v14;
	_ =	sdelay $0x1  }
0xc2: {  	v2 =	vadd.f32 v3, v2;
	v3 =	vmul.f32 v15, v4;
	_ =	sdelay $0x1  }
0xc3: {  	v1 =	vmul.f32 v16, v1;
	v2 =	vadd.f32 v3, v2;
	_ =	sdelay $0x1  }
0xc4: {  	v2 =	vadd.f32 v1, v2;
	_ =	sdelay $0x1  }
0xc5: {  	v1 =	vand.u32 $0x7FFFFFFF, v2  }
0xc6: {  	v1 =	vsub.f32 $0.0e+00, v1;
	_ =	sdelay $0x1  }
0xc7: {  	v1 =	vmul.f32 $1.442695020e+00, v1;
	_ =	sdelay $0x1  }
0xc8: {  	(erf) = vpow2.f32 v1;
	_ =	sdelay $0x8  }
0xc9: {  	v3 =	vpop (erf)  }
0xca: {  	v1 =	vadd.f32 $1.000000000e+00, v3;
	_ =	sdelay $0x1  }
0xcb: {  	(erf) = vrcp.f32 v1;
	_ =	sdelay $0x5  }
0xcc: {  	s28 =	simm.s32 $0x10  }
0xcd: {  	v1 =	vmov s28  }
0xce: {  	v1 =	vshll.u32 v1, $0x6  }
0xcf: {  	v1 =	vor.u32 v0, v1;
	v4 =	vpop (erf)  }
0xd0: {  	v3 =	vmul.f32 v4, v3  }
0xd1: {  	vm0 =	vge.f32 v2, $0.0e+00;
	v5 =	vor.u32 $0x1, v1  }
0xd2: {  	v2 =	vsel vm0, v4, v3  }
0xd3: {  	v3 =	vor.u32 $0x2, v1;
	[tilespmem:s25+$0x0] =	vst v2  }
0xd4: {  	v2 =	vld.idx.msk [tilespmem:v1+s12+$0x0], $0xffff  }
0xd5: {  	v17 =	vor.u32 $0x3, v1;
	v4 =	vld.idx.msk [tilespmem:v1+s11+$0x0], $0xffff  }
0xd6: {  	v18 =	vld.idx.msk [tilespmem:v5+s12+$0x0], $0xffff  }
0xd7: {  	v19 =	vor.u32 $0x4, v1;
	v5 =	vld.idx.msk [tilespmem:v5+s11+$0x0], $0xffff  }
0xd8: {  	v20 =	vld.idx.msk [tilespmem:v3+s12+$0x0], $0xffff  }
0xd9: {  	v21 =	vor.u32 $0x5, v1;
	v3 =	vld.idx.msk [tilespmem:v3+s11+$0x0], $0xffff  }
0xda: {  	v22 =	vld.idx.msk [tilespmem:v17+s12+$0x0], $0xffff;
	v2 =	vmul.f32 v2, v4  }
0xdb: {  	v23 =	vor.u32 $0x6, v1;
	v4 =	vld.idx.msk [tilespmem:v17+s11+$0x0], $0xffff  }
0xdc: {  	v24 =	vld.idx.msk [tilespmem:v19+s12+$0x0], $0xffff;
	v5 =	vmul.f32 v18, v5;
	v2 =	vadd.f32 $0.0e+00, v2  }
0xdd: {  	v26 =	vor.u32 $0x7, v1;
	v25 =	vld.idx.msk [tilespmem:v19+s11+$0x0], $0xffff  }
0xde: {  	v27 =	vld.idx.msk [tilespmem:v21+s12+$0x0], $0xffff;
	v3 =	vmul.f32 v20, v3;
	v2 =	vadd.f32 v5, v2  }
0xdf: {  	v28 =	vor.u32 $0x8, v1;
	v5 =	vld.idx.msk [tilespmem:v21+s11+$0x0], $0xffff  }
0xe0: {  	v29 =	vld.idx.msk [tilespmem:v23+s12+$0x0], $0xffff;
	v2 =	vadd.f32 v3, v2;
	v3 =	vmul.f32 v22, v4  }
0xe1: {  	v30 =	vor.u32 $0x9, v1;
	v4 =	vld.idx.msk [tilespmem:v23+s11+$0x0], $0xffff  }
0xe2: {  	v31 =	vld.idx.msk [tilespmem:v26+s12+$0x0], $0xffff;
	v2 =	vadd.f32 v3, v2;
	v3 =	vmul.f32 v24, v25  }
0xe3: {  	v33 =	vor.u32 $0xA, v1;
	v32 =	vld.idx.msk [tilespmem:v26+s11+$0x0], $0xffff  }
0xe4: {  	v34 =	vld.idx.msk [tilespmem:v28+s12+$0x0], $0xffff;
	v2 =	vadd.f32 v3, v2;
	v3 =	vmul.f32 v27, v5  }
0xe5: {  	v35 =	vor.u32 $0xB, v1;
	v5 =	vld.idx.msk [tilespmem:v28+s11+$0x0], $0xffff  }
0xe6: {  	v36 =	vld.idx.msk [tilespmem:v30+s12+$0x0], $0xffff;
	v2 =	vadd.f32 v3, v2;
	v3 =	vmul.f32 v29, v4  }
0xe7: {  	v37 =	vor.u32 $0xC, v1;
	v4 =	vld.idx.msk [tilespmem:v30+s11+$0x0], $0xffff  }
0xe8: {  	v38 =	vld.idx.msk [tilespmem:v33+s12+$0x0], $0xffff;
	v2 =	vadd.f32 v3, v2;
	v3 =	vmul.f32 v31, v32  }
0xe9: {  	v40 =	vor.u32 $0xD, v1;
	v39 =	vld.idx.msk [tilespmem:v33+s11+$0x0], $0xffff  }
0xea: {  	v41 =	vld.idx.msk [tilespmem:v35+s12+$0x0], $0xffff;
	v2 =	vadd.f32 v3, v2;
	v3 =	vmul.f32 v34, v5  }
0xeb: {  	v42 =	vor.u32 $0xE, v1;
	v5 =	vld.idx.msk [tilespmem:v35+s11+$0x0], $0xffff  }
0xec: {  	v43 =	vld.idx.msk [tilespmem:v37+s12+$0x0], $0xffff;
	v2 =	vadd.f32 v3, v2;
	v3 =	vmul.f32 v36, v4  }
0xed: {  	v44 =	vor.u32 $0xF, v1;
	v4 =	vld.idx.msk [tilespmem:v37+s11+$0x0], $0xffff  }
0xee: {  	v45 =	vld.idx.msk [tilespmem:v40+s12+$0x0], $0xffff;
	v2 =	vadd.f32 v3, v2;
	v3 =	vmul.f32 v38, v39  }
0xef: {  	v47 =	vor.u32 $0x10, v1;
	v46 =	vld.idx.msk [tilespmem:v40+s11+$0x0], $0xffff  }
0xf0: {  	v48 =	vld.idx.msk [tilespmem:v42+s12+$0x0], $0xffff;
	v2 =	vadd.f32 v3, v2;
	v3 =	vmul.f32 v41, v5  }
0xf1: {  	v49 =	vor.u32 $0x11, v1;
	v5 =	vld.idx.msk [tilespmem:v42+s11+$0x0], $0xffff  }
0xf2: {  	v50 =	vld.idx.msk [tilespmem:v44+s12+$0x0], $0xffff;
	v2 =	vadd.f32 v3, v2;
	v3 =	vmul.f32 v43, v4  }
0xf3: {  	v51 =	vor.u32 $0x12, v1;
	v4 =	vld.idx.msk [tilespmem:v44+s11+$0x0], $0xffff  }
0xf4: {  	v52 =	vld.idx.msk [tilespmem:v47+s12+$0x0], $0xffff;
	v2 =	vadd.f32 v3, v2;
	v3 =	vmul.f32 v45, v46  }
0xf5: {  	v54 =	vor.u32 $0x13, v1;
	v53 =	vld.idx.msk [tilespmem:v47+s11+$0x0], $0xffff  }
0xf6: {  	v55 =	vld.idx.msk [tilespmem:v49+s12+$0x0], $0xffff;
	v2 =	vadd.f32 v3, v2;
	v3 =	vmul.f32 v48, v5  }
0xf7: {  	v56 =	vor.u32 $0x14, v1;
	v5 =	vld.idx.msk [tilespmem:v49+s11+$0x0], $0xffff  }
0xf8: {  	v57 =	vld.idx.msk [tilespmem:v51+s12+$0x0], $0xffff;
	v2 =	vadd.f32 v3, v2;
	v3 =	vmul.f32 v50, v4  }
0xf9: {  	v58 =	vor.u32 $0x15, v1;
	v4 =	vld.idx.msk [tilespmem:v51+s11+$0x0], $0xffff  }
0xfa: {  	v59 =	vld.idx.msk [tilespmem:v54+s12+$0x0], $0xffff;
	v2 =	vadd.f32 v3, v2;
	v3 =	vmul.f32 v52, v53  }
0xfb: {  	v61 =	vor.u32 $0x16, v1;
	v60 =	vld.idx.msk [tilespmem:v54+s11+$0x0], $0xffff  }
0xfc: {  	v62 =	vld.idx.msk [tilespmem:v56+s12+$0x0], $0xffff;
	v2 =	vadd.f32 v3, v2;
	v3 =	vmul.f32 v55, v5  }
0xfd: {  	v63 =	vor.u32 $0x17, v1;
	v5 =	vld.idx.msk [tilespmem:v56+s11+$0x0], $0xffff  }
0xfe: {  	v16 =	vld.idx.msk [tilespmem:v58+s12+$0x0], $0xffff;
	v2 =	vadd.f32 v3, v2;
	v3 =	vmul.f32 v57, v4  }
0xff: {  	v17 =	vor.u32 $0x18, v1;
	v4 =	vld.idx.msk [tilespmem:v58+s11+$0x0], $0xffff  }
0x100: {  	v19 =	vld.idx.msk [tilespmem:v61+s11+$0x0], $0xffff;
	v2 =	vadd.f32 v3, v2;
	v3 =	vmul.f32 v59, v60  }
0x101: {  	v18 =	vld.idx.msk [tilespmem:v61+s12+$0x0], $0xffff;
	v20 =	vor.u32 $0x19, v1  }
0x102: {  	v21 =	vld.idx.msk [tilespmem:v63+s12+$0x0], $0xffff;
	v2 =	vadd.f32 v3, v2;
	v3 =	vmul.f32 v62, v5  }
0x103: {  	v22 =	vor.u32 $0x1A, v1;
	v5 =	vld.idx.msk [tilespmem:v63+s11+$0x0], $0xffff  }
0x104: {  	v23 =	vld.idx.msk [tilespmem:v17+s12+$0x0], $0xffff;
	v2 =	vadd.f32 v3, v2;
	v3 =	vmul.f32 v16, v4  }
0x105: {  	v24 =	vor.u32 $0x1B, v1;
	v4 =	vld.idx.msk [tilespmem:v17+s11+$0x0], $0xffff  }
0x106: {  	v25 =	vld.idx.msk [tilespmem:v20+s12+$0x0], $0xffff;
	v2 =	vadd.f32 v3, v2;
	v3 =	vmul.f32 v18, v19  }
0x107: {  	v26 =	vld.idx.msk [tilespmem:v20+s11+$0x0], $0xffff;
	v27 =	vor.u32 $0x1C, v1  }
0x108: {  	v28 =	vld.idx.msk [tilespmem:v22+s12+$0x0], $0xffff;
	v2 =	vadd.f32 v3, v2;
	v3 =	vmul.f32 v21, v5  }
0x109: {  	v29 =	vor.u32 $0x1D, v1;
	v5 =	vld.idx.msk [tilespmem:v22+s11+$0x0], $0xffff  }
0x10a: {  	v30 =	vld.idx.msk [tilespmem:v24+s12+$0x0], $0xffff;
	v2 =	vadd.f32 v3, v2;
	v3 =	vmul.f32 v23, v4  }
0x10b: {  	v31 =	vor.u32 $0x1E, v1;
	v4 =	vld.idx.msk [tilespmem:v24+s11+$0x0], $0xffff  }
0x10c: {  	v32 =	vld.idx.msk [tilespmem:v27+s12+$0x0], $0xffff;
	v2 =	vadd.f32 v3, v2;
	v3 =	vmul.f32 v25, v26  }
0x10d: {  	v33 =	vld.idx.msk [tilespmem:v27+s11+$0x0], $0xffff;
	v34 =	vor.u32 $0x1F, v1  }
0x10e: {  	v35 =	vld.idx.msk [tilespmem:v29+s12+$0x0], $0xffff;
	v2 =	vadd.f32 v3, v2;
	v3 =	vmul.f32 v28, v5  }
0x10f: {  	v36 =	vor.u32 $0x20, v1;
	v5 =	vld.idx.msk [tilespmem:v29+s11+$0x0], $0xffff  }
0x110: {  	v37 =	vld.idx.msk [tilespmem:v31+s12+$0x0], $0xffff;
	v2 =	vadd.f32 v3, v2;
	v3 =	vmul.f32 v30, v4  }
0x111: {  	v38 =	vor.u32 $0x21, v1;
	v4 =	vld.idx.msk [tilespmem:v31+s11+$0x0], $0xffff  }
0x112: {  	v39 =	vld.idx.msk [tilespmem:v34+s12+$0x0], $0xffff;
	v2 =	vadd.f32 v3, v2;
	v3 =	vmul.f32 v32, v33  }
0x113: {  	v40 =	vld.idx.msk [tilespmem:v34+s11+$0x0], $0xffff;
	v41 =	vor.u32 $0x22, v1  }
0x114: {  	v42 =	vld.idx.msk [tilespmem:v36+s12+$0x0], $0xffff;
	v2 =	vadd.f32 v3, v2;
	v3 =	vmul.f32 v35, v5  }
0x115: {  	v43 =	vor.u32 $0x23, v1;
	v5 =	vld.idx.msk [tilespmem:v36+s11+$0x0], $0xffff  }
0x116: {  	v44 =	vld.idx.msk [tilespmem:v38+s12+$0x0], $0xffff;
	v2 =	vadd.f32 v3, v2;
	v3 =	vmul.f32 v37, v4  }
0x117: {  	v45 =	vor.u32 $0x24, v1;
	v4 =	vld.idx.msk [tilespmem:v38+s11+$0x0], $0xffff  }
0x118: {  	v46 =	vld.idx.msk [tilespmem:v41+s12+$0x0], $0xffff;
	v2 =	vadd.f32 v3, v2;
	v3 =	vmul.f32 v39, v40  }
0x119: {  	v47 =	vld.idx.msk [tilespmem:v41+s11+$0x0], $0xffff;
	v48 =	vor.u32 $0x25, v1  }
0x11a: {  	v49 =	vld.idx.msk [tilespmem:v43+s12+$0x0], $0xffff;
	v2 =	vadd.f32 v3, v2;
	v3 =	vmul.f32 v42, v5  }
0x11b: {  	v50 =	vor.u32 $0x26, v1;
	v5 =	vld.idx.msk [tilespmem:v43+s11+$0x0], $0xffff  }
0x11c: {  	v51 =	vld.idx.msk [tilespmem:v45+s12+$0x0], $0xffff;
	v2 =	vadd.f32 v3, v2;
	v3 =	vmul.f32 v44, v4  }
0x11d: {  	v52 =	vor.u32 $0x27, v1;
	v4 =	vld.idx.msk [tilespmem:v45+s11+$0x0], $0xffff  }
0x11e: {  	v53 =	vld.idx.msk [tilespmem:v48+s12+$0x0], $0xffff;
	v2 =	vadd.f32 v3, v2;
	v3 =	vmul.f32 v46, v47  }
0x11f: {  	v54 =	vld.idx.msk [tilespmem:v48+s11+$0x0], $0xffff;
	v55 =	vor.u32 $0x28, v1  }
0x120: {  	v56 =	vld.idx.msk [tilespmem:v50+s12+$0x0], $0xffff;
	v2 =	vadd.f32 v3, v2;
	v3 =	vmul.f32 v49, v5  }
0x121: {  	v57 =	vor.u32 $0x29, v1;
	v5 =	vld.idx.msk [tilespmem:v50+s11+$0x0], $0xffff  }
0x122: {  	v58 =	vld.idx.msk [tilespmem:v52+s12+$0x0], $0xffff;
	v2 =	vadd.f32 v3, v2;
	v3 =	vmul.f32 v51, v4  }
0x123: {  	v59 =	vor.u32 $0x2A, v1;
	v4 =	vld.idx.msk [tilespmem:v52+s11+$0x0], $0xffff  }
0x124: {  	v60 =	vld.idx.msk [tilespmem:v55+s12+$0x0], $0xffff;
	v2 =	vadd.f32 v3, v2;
	v3 =	vmul.f32 v53, v54  }
0x125: {  	v61 =	vld.idx.msk [tilespmem:v55+s11+$0x0], $0xffff;
	v62 =	vor.u32 $0x2B, v1  }
0x126: {  	v63 =	vld.idx.msk [tilespmem:v57+s12+$0x0], $0xffff;
	v2 =	vadd.f32 v3, v2;
	v3 =	vmul.f32 v56, v5  }
0x127: {  	v16 =	vor.u32 $0x2C, v1;
	v5 =	vld.idx.msk [tilespmem:v57+s11+$0x0], $0xffff  }
0x128: {  	v17 =	vld.idx.msk [tilespmem:v59+s12+$0x0], $0xffff;
	v2 =	vadd.f32 v3, v2;
	v3 =	vmul.f32 v58, v4  }
0x129: {  	v18 =	vor.u32 $0x2D, v1;
	v4 =	vld.idx.msk [tilespmem:v59+s11+$0x0], $0xffff  }
0x12a: {  	v19 =	vld.idx.msk [tilespmem:v62+s12+$0x0], $0xffff;
	v2 =	vadd.f32 v3, v2;
	v3 =	vmul.f32 v60, v61  }
0x12b: {  	v20 =	vld.idx.msk [tilespmem:v62+s11+$0x0], $0xffff;
	v21 =	vor.u32 $0x2E, v1  }
0x12c: {  	v22 =	vld.idx.msk [tilespmem:v16+s12+$0x0], $0xffff;
	v2 =	vadd.f32 v3, v2;
	v3 =	vmul.f32 v63, v5  }
0x12d: {  	v23 =	vor.u32 $0x2F, v1;
	v5 =	vld.idx.msk [tilespmem:v16+s11+$0x0], $0xffff  }
0x12e: {  	v24 =	vld.idx.msk [tilespmem:v18+s12+$0x0], $0xffff;
	v2 =	vadd.f32 v3, v2;
	v3 =	vmul.f32 v17, v4  }
0x12f: {  	v25 =	vor.u32 $0x30, v1;
	v4 =	vld.idx.msk [tilespmem:v18+s11+$0x0], $0xffff  }
0x130: {  	v26 =	vld.idx.msk [tilespmem:v21+s12+$0x0], $0xffff;
	v2 =	vadd.f32 v3, v2;
	v3 =	vmul.f32 v19, v20  }
0x131: {  	v27 =	vld.idx.msk [tilespmem:v21+s11+$0x0], $0xffff;
	v28 =	vor.u32 $0x31, v1  }
0x132: {  	v29 =	vld.idx.msk [tilespmem:v23+s12+$0x0], $0xffff;
	v2 =	vadd.f32 v3, v2;
	v3 =	vmul.f32 v22, v5  }
0x133: {  	v30 =	vor.u32 $0x32, v1;
	v5 =	vld.idx.msk [tilespmem:v23+s11+$0x0], $0xffff  }
0x134: {  	v31 =	vld.idx.msk [tilespmem:v25+s12+$0x0], $0xffff;
	v2 =	vadd.f32 v3, v2;
	v3 =	vmul.f32 v24, v4  }
0x135: {  	v32 =	vor.u32 $0x33, v1;
	v4 =	vld.idx.msk [tilespmem:v25+s11+$0x0], $0xffff  }
0x136: {  	v33 =	vld.idx.msk [tilespmem:v28+s12+$0x0], $0xffff;
	v2 =	vadd.f32 v3, v2;
	v3 =	vmul.f32 v26, v27  }
0x137: {  	v34 =	vld.idx.msk [tilespmem:v28+s11+$0x0], $0xffff;
	v35 =	vor.u32 $0x34, v1  }
0x138: {  	v36 =	vld.idx.msk [tilespmem:v30+s12+$0x0], $0xffff;
	v2 =	vadd.f32 v3, v2;
	v3 =	vmul.f32 v29, v5  }
0x139: {  	v37 =	vor.u32 $0x35, v1;
	v5 =	vld.idx.msk [tilespmem:v30+s11+$0x0], $0xffff  }
0x13a: {  	v38 =	vld.idx.msk [tilespmem:v32+s12+$0x0], $0xffff;
	v2 =	vadd.f32 v3, v2;
	v3 =	vmul.f32 v31, v4  }
0x13b: {  	v39 =	vor.u32 $0x36, v1;
	v4 =	vld.idx.msk [tilespmem:v32+s11+$0x0], $0xffff  }
0x13c: {  	v40 =	vld.idx.msk [tilespmem:v35+s12+$0x0], $0xffff;
	v2 =	vadd.f32 v3, v2;
	v3 =	vmul.f32 v33, v34  }
0x13d: {  	v41 =	vld.idx.msk [tilespmem:v35+s11+$0x0], $0xffff;
	v42 =	vor.u32 $0x37, v1  }
0x13e: {  	v43 =	vld.idx.msk [tilespmem:v37+s12+$0x0], $0xffff;
	v2 =	vadd.f32 v3, v2;
	v3 =	vmul.f32 v36, v5  }
0x13f: {  	v44 =	vor.u32 $0x38, v1;
	v5 =	vld.idx.msk [tilespmem:v37+s11+$0x0], $0xffff  }
0x140: {  	v45 =	vld.idx.msk [tilespmem:v39+s12+$0x0], $0xffff;
	v2 =	vadd.f32 v3, v2;
	v3 =	vmul.f32 v38, v4  }
0x141: {  	v46 =	vor.u32 $0x39, v1;
	v4 =	vld.idx.msk [tilespmem:v39+s11+$0x0], $0xffff  }
0x142: {  	v47 =	vld.idx.msk [tilespmem:v42+s12+$0x0], $0xffff;
	v2 =	vadd.f32 v3, v2;
	v3 =	vmul.f32 v40, v41  }
0x143: {  	v48 =	vld.idx.msk [tilespmem:v42+s11+$0x0], $0xffff;
	v49 =	vor.u32 $0x3A, v1  }
0x144: {  	v50 =	vld.idx.msk [tilespmem:v44+s12+$0x0], $0xffff;
	v2 =	vadd.f32 v3, v2;
	v3 =	vmul.f32 v43, v5  }
0x145: {  	v51 =	vor.u32 $0x3B, v1;
	v5 =	vld.idx.msk [tilespmem:v44+s11+$0x0], $0xffff  }
0x146: {  	v52 =	vld.idx.msk [tilespmem:v46+s12+$0x0], $0xffff;
	v2 =	vadd.f32 v3, v2;
	v3 =	vmul.f32 v45, v4  }
0x147: {  	v53 =	vor.u32 $0x3C, v1;
	v4 =	vld.idx.msk [tilespmem:v46+s11+$0x0], $0xffff  }
0x148: {  	v54 =	vld.idx.msk [tilespmem:v49+s12+$0x0], $0xffff;
	v2 =	vadd.f32 v3, v2;
	v3 =	vmul.f32 v47, v48  }
0x149: {  	v55 =	vld.idx.msk [tilespmem:v49+s11+$0x0], $0xffff;
	v56 =	vor.u32 $0x3D, v1  }
0x14a: {  	v57 =	vld.idx.msk [tilespmem:v51+s12+$0x0], $0xffff;
	v2 =	vadd.f32 v3, v2;
	v3 =	vmul.f32 v50, v5  }
0x14b: {  	v58 =	vor.u32 $0x3E, v1;
	v5 =	vld.idx.msk [tilespmem:v51+s11+$0x0], $0xffff  }
0x14c: {  	v59 =	vld.idx.msk [tilespmem:v53+s12+$0x0], $0xffff;
	v2 =	vadd.f32 v3, v2;
	v3 =	vmul.f32 v52, v4  }
0x14d: {  	v1 =	vor.u32 $0x3F, v1;
	v4 =	vld.idx.msk [tilespmem:v53+s11+$0x0], $0xffff  }
0x14e: {  	v60 =	vld.idx.msk [tilespmem:v56+s12+$0x0], $0xffff;
	v2 =	vadd.f32 v3, v2;
	v3 =	vmul.f32 v54, v55  }
0x14f: {  	v61 =	vld.idx.msk [tilespmem:v56+s11+$0x0], $0xffff  }
0x150: {  	v62 =	vld.idx.msk [tilespmem:v58+s12+$0x0], $0xffff;
	v2 =	vadd.f32 v3, v2;
	v3 =	vmul.f32 v57, v5  }
0x151: {  	v5 =	vld.idx.msk [tilespmem:v58+s11+$0x0], $0xffff  }
0x152: {  	v63 =	vld.idx.msk [tilespmem:v1+s12+$0x0], $0xffff;
	v2 =	vadd.f32 v3, v2;
	v3 =	vmul.f32 v59, v4  }
0x153: {  	v1 =	vld.idx.msk [tilespmem:v1+s11+$0x0], $0xffff  }
0x154: {  	v2 =	vadd.f32 v3, v2;
	v3 =	vmul.f32 v60, v61;
	_ =	sdelay $0x1  }
0x155: {  	v2 =	vadd.f32 v3, v2;
	v3 =	vmul.f32 v62, v5;
	_ =	sdelay $0x1  }
0x156: {  	v1 =	vmul.f32 v63, v1;
	v2 =	vadd.f32 v3, v2;
	_ =	sdelay $0x1  }
0x157: {  	v2 =	vadd.f32 v1, v2;
	_ =	sdelay $0x1  }
0x158: {  	v1 =	vand.u32 $0x7FFFFFFF, v2  }
0x159: {  	v1 =	vsub.f32 $0.0e+00, v1;
	_ =	sdelay $0x1  }
0x15a: {  	v1 =	vmul.f32 $1.442695020e+00, v1;
	_ =	sdelay $0x1  }
0x15b: {  	(erf) = vpow2.f32 v1;
	_ =	sdelay $0x8  }
0x15c: {  	v3 =	vpop (erf)  }
0x15d: {  	v1 =	vadd.f32 $1.000000000e+00, v3;
	_ =	sdelay $0x1  }
0x15e: {  	(erf) = vrcp.f32 v1;
	_ =	sdelay $0x5  }
0x15f: {  	s28 =	simm.s32 $0x20  }
0x160: {  	v4 =	vmov s28  }
0x161: {  	s29 =	simm.s32 $0x30;
	s28 =	simm.s32 $0x10400;
	v1 =	vshll.u32 v4, $0x6  }
.LBB2_2:
0x162: {  	p0 =	sne.s32 s29, $0x1F0;
	v1 =	vor.u32 v0, v1;
	v4 =	vpop (erf)  }
0x163: {  	v3 =	vmul.f32 v4, v3  }
0x164: {  	vm0 =	vge.f32 v2, $0.0e+00;
	v5 =	vor.u32 $0x1, v1  }
0x165: {  	s28 =	sadd.s32 $0x10, s28;
	v2 =	vsel vm0, v4, v3  }
0x166: {  	v3 =	vor.u32 $0x2, v1;
	[tilespmem:s28+$0x0] =	vst v2  }
0x167: {  	v2 =	vld.idx.msk [tilespmem:v1+s12+$0x0], $0xffff  }
0x168: {  	v6 =	vor.u32 $0x3, v1;
	v4 =	vld.idx.msk [tilespmem:v1+s11+$0x0], $0xffff  }
0x169: {  	v7 =	vld.idx.msk [tilespmem:v5+s12+$0x0], $0xffff  }
0x16a: {  	v8 =	vor.u32 $0x4, v1;
	v5 =	vld.idx.msk [tilespmem:v5+s11+$0x0], $0xffff  }
0x16b: {  	v9 =	vld.idx.msk [tilespmem:v3+s12+$0x0], $0xffff  }
0x16c: {  	v10 =	vor.u32 $0x5, v1;
	v3 =	vld.idx.msk [tilespmem:v3+s11+$0x0], $0xffff  }
0x16d: {  	v11 =	vld.idx.msk [tilespmem:v6+s12+$0x0], $0xffff  }
0x16e: {  	v2 =	vmul.f32 v2, v4;
	v4 =	vld.idx.msk [tilespmem:v6+s11+$0x0], $0xffff;
	v6 =	vor.u32 $0x6, v1  }
0x16f: {  	v12 =	vld.idx.msk [tilespmem:v8+s12+$0x0], $0xffff  }
0x170: {  	v2 =	vadd.f32 $0.0e+00, v2;
	v5 =	vmul.f32 v7, v5;
	v7 =	vld.idx.msk [tilespmem:v8+s11+$0x0], $0xffff;
	v8 =	vor.u32 $0x7, v1  }
0x171: {  	v13 =	vld.idx.msk [tilespmem:v10+s12+$0x0], $0xffff  }
0x172: {  	v2 =	vadd.f32 v5, v2;
	v3 =	vmul.f32 v9, v3;
	v9 =	vor.u32 $0x8, v1;
	v5 =	vld.idx.msk [tilespmem:v10+s11+$0x0], $0xffff  }
0x173: {  	v10 =	vld.idx.msk [tilespmem:v6+s12+$0x0], $0xffff  }
0x174: {  	v2 =	vadd.f32 v3, v2;
	v3 =	vmul.f32 v11, v4;
	v4 =	vld.idx.msk [tilespmem:v6+s11+$0x0], $0xffff;
	v6 =	vor.u32 $0x9, v1  }
0x175: {  	v11 =	vld.idx.msk [tilespmem:v8+s12+$0x0], $0xffff  }
0x176: {  	v2 =	vadd.f32 v3, v2;
	v3 =	vmul.f32 v12, v7;
	v7 =	vld.idx.msk [tilespmem:v8+s11+$0x0], $0xffff;
	v8 =	vor.u32 $0xA, v1  }
0x177: {  	v12 =	vld.idx.msk [tilespmem:v9+s12+$0x0], $0xffff  }
0x178: {  	v2 =	vadd.f32 v3, v2;
	v3 =	vmul.f32 v13, v5;
	v5 =	vld.idx.msk [tilespmem:v9+s11+$0x0], $0xffff;
	v9 =	vor.u32 $0xB, v1  }
0x179: {  	v13 =	vld.idx.msk [tilespmem:v6+s12+$0x0], $0xffff  }
0x17a: {  	v2 =	vadd.f32 v3, v2;
	v3 =	vmul.f32 v10, v4;
	v4 =	vld.idx.msk [tilespmem:v6+s11+$0x0], $0xffff;
	v6 =	vor.u32 $0xC, v1  }
0x17b: {  	v10 =	vld.idx.msk [tilespmem:v8+s12+$0x0], $0xffff  }
0x17c: {  	v2 =	vadd.f32 v3, v2;
	v3 =	vmul.f32 v11, v7;
	v7 =	vld.idx.msk [tilespmem:v8+s11+$0x0], $0xffff;
	v8 =	vor.u32 $0xD, v1  }
0x17d: {  	v11 =	vld.idx.msk [tilespmem:v9+s12+$0x0], $0xffff  }
0x17e: {  	v2 =	vadd.f32 v3, v2;
	v3 =	vmul.f32 v12, v5;
	v5 =	vld.idx.msk [tilespmem:v9+s11+$0x0], $0xffff;
	v9 =	vor.u32 $0xE, v1  }
0x17f: {  	v12 =	vld.idx.msk [tilespmem:v6+s12+$0x0], $0xffff  }
0x180: {  	v2 =	vadd.f32 v3, v2;
	v3 =	vmul.f32 v13, v4;
	v4 =	vld.idx.msk [tilespmem:v6+s11+$0x0], $0xffff;
	v6 =	vor.u32 $0xF, v1  }
0x181: {  	v13 =	vld.idx.msk [tilespmem:v8+s12+$0x0], $0xffff  }
0x182: {  	v2 =	vadd.f32 v3, v2;
	v3 =	vmul.f32 v10, v7;
	v7 =	vld.idx.msk [tilespmem:v8+s11+$0x0], $0xffff;
	v8 =	vor.u32 $0x10, v1  }
0x183: {  	v10 =	vld.idx.msk [tilespmem:v9+s12+$0x0], $0xffff  }
0x184: {  	v2 =	vadd.f32 v3, v2;
	v3 =	vmul.f32 v11, v5;
	v5 =	vld.idx.msk [tilespmem:v9+s11+$0x0], $0xffff;
	v9 =	vor.u32 $0x11, v1  }
0x185: {  	v11 =	vld.idx.msk [tilespmem:v6+s12+$0x0], $0xffff  }
0x186: {  	v2 =	vadd.f32 v3, v2;
	v3 =	vmul.f32 v12, v4;
	v4 =	vld.idx.msk [tilespmem:v6+s11+$0x0], $0xffff;
	v6 =	vor.u32 $0x12, v1  }
0x187: {  	v12 =	vld.idx.msk [tilespmem:v8+s12+$0x0], $0xffff  }
0x188: {  	v2 =	vadd.f32 v3, v2;
	v3 =	vmul.f32 v13, v7;
	v7 =	vld.idx.msk [tilespmem:v8+s11+$0x0], $0xffff;
	v8 =	vor.u32 $0x13, v1  }
0x189: {  	v13 =	vld.idx.msk [tilespmem:v9+s12+$0x0], $0xffff  }
0x18a: {  	v2 =	vadd.f32 v3, v2;
	v3 =	vmul.f32 v10, v5;
	v5 =	vld.idx.msk [tilespmem:v9+s11+$0x0], $0xffff;
	v9 =	vor.u32 $0x14, v1  }
0x18b: {  	v10 =	vld.idx.msk [tilespmem:v6+s12+$0x0], $0xffff  }
0x18c: {  	v2 =	vadd.f32 v3, v2;
	v3 =	vmul.f32 v11, v4;
	v4 =	vld.idx.msk [tilespmem:v6+s11+$0x0], $0xffff;
	v6 =	vor.u32 $0x15, v1  }
0x18d: {  	v11 =	vld.idx.msk [tilespmem:v8+s12+$0x0], $0xffff  }
0x18e: {  	v2 =	vadd.f32 v3, v2;
	v3 =	vmul.f32 v12, v7;
	v7 =	vld.idx.msk [tilespmem:v8+s11+$0x0], $0xffff;
	v8 =	vor.u32 $0x16, v1  }
0x18f: {  	v12 =	vld.idx.msk [tilespmem:v9+s12+$0x0], $0xffff  }
0x190: {  	v2 =	vadd.f32 v3, v2;
	v3 =	vmul.f32 v13, v5;
	v5 =	vld.idx.msk [tilespmem:v9+s11+$0x0], $0xffff;
	v9 =	vor.u32 $0x17, v1  }
0x191: {  	v13 =	vld.idx.msk [tilespmem:v6+s12+$0x0], $0xffff  }
0x192: {  	v2 =	vadd.f32 v3, v2;
	v3 =	vmul.f32 v10, v4;
	v4 =	vld.idx.msk [tilespmem:v6+s11+$0x0], $0xffff;
	v6 =	vor.u32 $0x18, v1  }
0x193: {  	v10 =	vld.idx.msk [tilespmem:v8+s12+$0x0], $0xffff  }
0x194: {  	v2 =	vadd.f32 v3, v2;
	v3 =	vmul.f32 v11, v7;
	v7 =	vld.idx.msk [tilespmem:v8+s11+$0x0], $0xffff;
	v8 =	vor.u32 $0x19, v1  }
0x195: {  	v11 =	vld.idx.msk [tilespmem:v9+s12+$0x0], $0xffff  }
0x196: {  	v2 =	vadd.f32 v3, v2;
	v3 =	vmul.f32 v12, v5;
	v5 =	vld.idx.msk [tilespmem:v9+s11+$0x0], $0xffff;
	v9 =	vor.u32 $0x1A, v1  }
0x197: {  	v12 =	vld.idx.msk [tilespmem:v6+s12+$0x0], $0xffff  }
0x198: {  	v2 =	vadd.f32 v3, v2;
	v3 =	vmul.f32 v13, v4;
	v4 =	vld.idx.msk [tilespmem:v6+s11+$0x0], $0xffff;
	v6 =	vor.u32 $0x1B, v1  }
0x199: {  	v13 =	vld.idx.msk [tilespmem:v8+s12+$0x0], $0xffff  }
0x19a: {  	v2 =	vadd.f32 v3, v2;
	v3 =	vmul.f32 v10, v7;
	v7 =	vld.idx.msk [tilespmem:v8+s11+$0x0], $0xffff;
	v8 =	vor.u32 $0x1C, v1  }
0x19b: {  	v10 =	vld.idx.msk [tilespmem:v9+s12+$0x0], $0xffff  }
0x19c: {  	v2 =	vadd.f32 v3, v2;
	v3 =	vmul.f32 v11, v5;
	v5 =	vld.idx.msk [tilespmem:v9+s11+$0x0], $0xffff;
	v9 =	vor.u32 $0x1D, v1  }
0x19d: {  	v11 =	vld.idx.msk [tilespmem:v6+s12+$0x0], $0xffff  }
0x19e: {  	v2 =	vadd.f32 v3, v2;
	v3 =	vmul.f32 v12, v4;
	v4 =	vld.idx.msk [tilespmem:v6+s11+$0x0], $0xffff;
	v6 =	vor.u32 $0x1E, v1  }
0x19f: {  	v12 =	vld.idx.msk [tilespmem:v8+s12+$0x0], $0xffff  }
0x1a0: {  	v2 =	vadd.f32 v3, v2;
	v3 =	vmul.f32 v13, v7;
	v7 =	vld.idx.msk [tilespmem:v8+s11+$0x0], $0xffff;
	v8 =	vor.u32 $0x1F, v1  }
0x1a1: {  	v13 =	vld.idx.msk [tilespmem:v9+s12+$0x0], $0xffff  }
0x1a2: {  	v2 =	vadd.f32 v3, v2;
	v3 =	vmul.f32 v10, v5;
	v5 =	vld.idx.msk [tilespmem:v9+s11+$0x0], $0xffff;
	v9 =	vor.u32 $0x20, v1  }
0x1a3: {  	v10 =	vld.idx.msk [tilespmem:v6+s12+$0x0], $0xffff  }
0x1a4: {  	v2 =	vadd.f32 v3, v2;
	v3 =	vmul.f32 v11, v4;
	v4 =	vld.idx.msk [tilespmem:v6+s11+$0x0], $0xffff;
	v6 =	vor.u32 $0x21, v1  }
0x1a5: {  	v11 =	vld.idx.msk [tilespmem:v8+s12+$0x0], $0xffff  }
0x1a6: {  	v2 =	vadd.f32 v3, v2;
	v3 =	vmul.f32 v12, v7;
	v7 =	vld.idx.msk [tilespmem:v8+s11+$0x0], $0xffff;
	v8 =	vor.u32 $0x22, v1  }
0x1a7: {  	v12 =	vld.idx.msk [tilespmem:v9+s12+$0x0], $0xffff  }
0x1a8: {  	v2 =	vadd.f32 v3, v2;
	v3 =	vmul.f32 v13, v5;
	v5 =	vld.idx.msk [tilespmem:v9+s11+$0x0], $0xffff;
	v9 =	vor.u32 $0x23, v1  }
0x1a9: {  	v13 =	vld.idx.msk [tilespmem:v6+s12+$0x0], $0xffff  }
0x1aa: {  	v2 =	vadd.f32 v3, v2;
	v3 =	vmul.f32 v10, v4;
	v4 =	vld.idx.msk [tilespmem:v6+s11+$0x0], $0xffff;
	v6 =	vor.u32 $0x24, v1  }
0x1ab: {  	v10 =	vld.idx.msk [tilespmem:v8+s12+$0x0], $0xffff  }
0x1ac: {  	v2 =	vadd.f32 v3, v2;
	v3 =	vmul.f32 v11, v7;
	v7 =	vld.idx.msk [tilespmem:v8+s11+$0x0], $0xffff;
	v8 =	vor.u32 $0x25, v1  }
0x1ad: {  	v11 =	vld.idx.msk [tilespmem:v9+s12+$0x0], $0xffff  }
0x1ae: {  	v2 =	vadd.f32 v3, v2;
	v3 =	vmul.f32 v12, v5;
	v5 =	vld.idx.msk [tilespmem:v9+s11+$0x0], $0xffff;
	v9 =	vor.u32 $0x26, v1  }
0x1af: {  	v12 =	vld.idx.msk [tilespmem:v6+s12+$0x0], $0xffff  }
0x1b0: {  	v2 =	vadd.f32 v3, v2;
	v3 =	vmul.f32 v13, v4;
	v4 =	vld.idx.msk [tilespmem:v6+s11+$0x0], $0xffff;
	v6 =	vor.u32 $0x27, v1  }
0x1b1: {  	v13 =	vld.idx.msk [tilespmem:v8+s12+$0x0], $0xffff  }
0x1b2: {  	v2 =	vadd.f32 v3, v2;
	v3 =	vmul.f32 v10, v7;
	v7 =	vld.idx.msk [tilespmem:v8+s11+$0x0], $0xffff;
	v8 =	vor.u32 $0x28, v1  }
0x1b3: {  	v10 =	vld.idx.msk [tilespmem:v9+s12+$0x0], $0xffff  }
0x1b4: {  	v2 =	vadd.f32 v3, v2;
	v3 =	vmul.f32 v11, v5;
	v5 =	vld.idx.msk [tilespmem:v9+s11+$0x0], $0xffff;
	v9 =	vor.u32 $0x29, v1  }
0x1b5: {  	v11 =	vld.idx.msk [tilespmem:v6+s12+$0x0], $0xffff  }
0x1b6: {  	v2 =	vadd.f32 v3, v2;
	v3 =	vmul.f32 v12, v4;
	v4 =	vld.idx.msk [tilespmem:v6+s11+$0x0], $0xffff;
	v6 =	vor.u32 $0x2A, v1  }
0x1b7: {  	v12 =	vld.idx.msk [tilespmem:v8+s12+$0x0], $0xffff  }
0x1b8: {  	v2 =	vadd.f32 v3, v2;
	v3 =	vmul.f32 v13, v7;
	v7 =	vld.idx.msk [tilespmem:v8+s11+$0x0], $0xffff;
	v8 =	vor.u32 $0x2B, v1  }
0x1b9: {  	v13 =	vld.idx.msk [tilespmem:v9+s12+$0x0], $0xffff  }
0x1ba: {  	v2 =	vadd.f32 v3, v2;
	v3 =	vmul.f32 v10, v5;
	v5 =	vld.idx.msk [tilespmem:v9+s11+$0x0], $0xffff;
	v9 =	vor.u32 $0x2C, v1  }
0x1bb: {  	v10 =	vld.idx.msk [tilespmem:v6+s12+$0x0], $0xffff  }
0x1bc: {  	v2 =	vadd.f32 v3, v2;
	v3 =	vmul.f32 v11, v4;
	v4 =	vld.idx.msk [tilespmem:v6+s11+$0x0], $0xffff;
	v6 =	vor.u32 $0x2D, v1  }
0x1bd: {  	v11 =	vld.idx.msk [tilespmem:v8+s12+$0x0], $0xffff  }
0x1be: {  	v2 =	vadd.f32 v3, v2;
	v3 =	vmul.f32 v12, v7;
	v7 =	vld.idx.msk [tilespmem:v8+s11+$0x0], $0xffff;
	v8 =	vor.u32 $0x2E, v1  }
0x1bf: {  	v12 =	vld.idx.msk [tilespmem:v9+s12+$0x0], $0xffff  }
0x1c0: {  	v2 =	vadd.f32 v3, v2;
	v3 =	vmul.f32 v13, v5;
	v5 =	vld.idx.msk [tilespmem:v9+s11+$0x0], $0xffff;
	v9 =	vor.u32 $0x2F, v1  }
0x1c1: {  	v13 =	vld.idx.msk [tilespmem:v6+s12+$0x0], $0xffff  }
0x1c2: {  	v2 =	vadd.f32 v3, v2;
	v3 =	vmul.f32 v10, v4;
	v4 =	vld.idx.msk [tilespmem:v6+s11+$0x0], $0xffff;
	v6 =	vor.u32 $0x30, v1  }
0x1c3: {  	v10 =	vld.idx.msk [tilespmem:v8+s12+$0x0], $0xffff  }
0x1c4: {  	v2 =	vadd.f32 v3, v2;
	v3 =	vmul.f32 v11, v7;
	v7 =	vld.idx.msk [tilespmem:v8+s11+$0x0], $0xffff;
	v8 =	vor.u32 $0x31, v1  }
0x1c5: {  	v11 =	vld.idx.msk [tilespmem:v9+s12+$0x0], $0xffff  }
0x1c6: {  	v2 =	vadd.f32 v3, v2;
	v3 =	vmul.f32 v12, v5;
	v5 =	vld.idx.msk [tilespmem:v9+s11+$0x0], $0xffff;
	v9 =	vor.u32 $0x32, v1  }
0x1c7: {  	v12 =	vld.idx.msk [tilespmem:v6+s12+$0x0], $0xffff  }
0x1c8: {  	v2 =	vadd.f32 v3, v2;
	v3 =	vmul.f32 v13, v4;
	v4 =	vld.idx.msk [tilespmem:v6+s11+$0x0], $0xffff;
	v6 =	vor.u32 $0x33, v1  }
0x1c9: {  	v13 =	vld.idx.msk [tilespmem:v8+s12+$0x0], $0xffff  }
0x1ca: {  	v2 =	vadd.f32 v3, v2;
	v3 =	vmul.f32 v10, v7;
	v7 =	vld.idx.msk [tilespmem:v8+s11+$0x0], $0xffff;
	v8 =	vor.u32 $0x34, v1  }
0x1cb: {  	v10 =	vld.idx.msk [tilespmem:v9+s12+$0x0], $0xffff  }
0x1cc: {  	v2 =	vadd.f32 v3, v2;
	v3 =	vmul.f32 v11, v5;
	v5 =	vld.idx.msk [tilespmem:v9+s11+$0x0], $0xffff;
	v9 =	vor.u32 $0x35, v1  }
0x1cd: {  	v11 =	vld.idx.msk [tilespmem:v6+s12+$0x0], $0xffff  }
0x1ce: {  	v2 =	vadd.f32 v3, v2;
	v3 =	vmul.f32 v12, v4;
	v4 =	vld.idx.msk [tilespmem:v6+s11+$0x0], $0xffff;
	v6 =	vor.u32 $0x36, v1  }
0x1cf: {  	v12 =	vld.idx.msk [tilespmem:v8+s12+$0x0], $0xffff  }
0x1d0: {  	v2 =	vadd.f32 v3, v2;
	v3 =	vmul.f32 v13, v7;
	v7 =	vld.idx.msk [tilespmem:v8+s11+$0x0], $0xffff;
	v8 =	vor.u32 $0x37, v1  }
0x1d1: {  	v13 =	vld.idx.msk [tilespmem:v9+s12+$0x0], $0xffff  }
0x1d2: {  	v2 =	vadd.f32 v3, v2;
	v3 =	vmul.f32 v10, v5;
	v5 =	vld.idx.msk [tilespmem:v9+s11+$0x0], $0xffff;
	v9 =	vor.u32 $0x38, v1  }
0x1d3: {  	v10 =	vld.idx.msk [tilespmem:v6+s12+$0x0], $0xffff  }
0x1d4: {  	v2 =	vadd.f32 v3, v2;
	v3 =	vmul.f32 v11, v4;
	v4 =	vld.idx.msk [tilespmem:v6+s11+$0x0], $0xffff;
	v6 =	vor.u32 $0x39, v1  }
0x1d5: {  	v11 =	vld.idx.msk [tilespmem:v8+s12+$0x0], $0xffff  }
0x1d6: {  	v2 =	vadd.f32 v3, v2;
	v3 =	vmul.f32 v12, v7;
	v7 =	vld.idx.msk [tilespmem:v8+s11+$0x0], $0xffff;
	v8 =	vor.u32 $0x3A, v1  }
0x1d7: {  	v12 =	vld.idx.msk [tilespmem:v9+s12+$0x0], $0xffff  }
0x1d8: {  	v2 =	vadd.f32 v3, v2;
	v3 =	vmul.f32 v13, v5;
	v5 =	vld.idx.msk [tilespmem:v9+s11+$0x0], $0xffff;
	v9 =	vor.u32 $0x3B, v1  }
0x1d9: {  	v13 =	vld.idx.msk [tilespmem:v6+s12+$0x0], $0xffff  }
0x1da: {  	v2 =	vadd.f32 v3, v2;
	v3 =	vmul.f32 v10, v4;
	v4 =	vld.idx.msk [tilespmem:v6+s11+$0x0], $0xffff;
	v6 =	vor.u32 $0x3C, v1  }
0x1db: {  	v10 =	vld.idx.msk [tilespmem:v8+s12+$0x0], $0xffff  }
0x1dc: {  	v2 =	vadd.f32 v3, v2;
	v3 =	vmul.f32 v11, v7;
	v7 =	vld.idx.msk [tilespmem:v8+s11+$0x0], $0xffff;
	v8 =	vor.u32 $0x3D, v1  }
0x1dd: {  	v11 =	vld.idx.msk [tilespmem:v9+s12+$0x0], $0xffff  }
0x1de: {  	v2 =	vadd.f32 v3, v2;
	v3 =	vmul.f32 v12, v5;
	v5 =	vld.idx.msk [tilespmem:v9+s11+$0x0], $0xffff;
	v9 =	vor.u32 $0x3E, v1  }
0x1df: {  	v12 =	vld.idx.msk [tilespmem:v6+s12+$0x0], $0xffff  }
0x1e0: {  	v1 =	vor.u32 $0x3F, v1;
	v2 =	vadd.f32 v3, v2;
	v3 =	vmul.f32 v13, v4;
	v4 =	vld.idx.msk [tilespmem:v6+s11+$0x0], $0xffff  }
0x1e1: {  	v6 =	vld.idx.msk [tilespmem:v8+s12+$0x0], $0xffff  }
0x1e2: {  	v2 =	vadd.f32 v3, v2;
	v3 =	vmul.f32 v10, v7;
	v7 =	vld.idx.msk [tilespmem:v8+s11+$0x0], $0xffff  }
0x1e3: {  	v8 =	vld.idx.msk [tilespmem:v9+s12+$0x0], $0xffff  }
0x1e4: {  	v2 =	vadd.f32 v3, v2;
	v3 =	vmul.f32 v11, v5;
	v5 =	vld.idx.msk [tilespmem:v9+s11+$0x0], $0xffff  }
0x1e5: {  	v9 =	vld.idx.msk [tilespmem:v1+s12+$0x0], $0xffff  }
0x1e6: {  	v2 =	vadd.f32 v3, v2;
	v3 =	vmul.f32 v12, v4;
	v1 =	vld.idx.msk [tilespmem:v1+s11+$0x0], $0xffff;
	_ =	sdelay $0x1  }
0x1e7: {  	v2 =	vadd.f32 v3, v2;
	v3 =	vmul.f32 v6, v7;
	_ =	sdelay $0x1  }
0x1e8: {  	v2 =	vadd.f32 v3, v2;
	v3 =	vmul.f32 v8, v5;
	_ =	sdelay $0x1  }
0x1e9: {  	v2 =	vadd.f32 v3, v2;
	v1 =	vmul.f32 v9, v1;
	_ =	sdelay $0x1  }
0x1ea: {  	v2 =	vadd.f32 v1, v2;
	_ =	sdelay $0x1  }
0x1eb: {  	v1 =	vand.u32 $0x7FFFFFFF, v2  }
0x1ec: {  	v1 =	vsub.f32 $0.0e+00, v1;
	_ =	sdelay $0x1  }
0x1ed: {  	v1 =	vmul.f32 $1.442695020e+00, v1;
	_ =	sdelay $0x1  }
0x1ee: {  	(erf) = vpow2.f32 v1;
	_ =	sdelay $0x8  }
0x1ef: {  	v3 =	vpop (erf)  }
0x1f0: {  	v1 =	vadd.f32 $1.000000000e+00, v3;
	_ =	sdelay $0x1  }
0x1f1: {  	(erf) = vrcp.f32 v1;
	_ =	sdelay $0x3  }
.Ltmp0:
0x1f2: {  	(pc) =	sbr.rel @p0 .LBB2_2-.Ltmp0, $3  }
0x1f3: {  	_ =	sdelay $0x1  }
0x1f4: {  	v1 =	vmov s29  }
0x1f5: {  	s29 =	sadd.s32 $0x10, s29;
	v1 =	vshll.u32 v1, $0x6  }
0x1f6: {  	v1 =	vor.u32 v0, v1;
	v4 =	vpop (erf)  }
0x1f7: {  	v3 =	vmul.f32 v4, v3  }
0x1f8: {  	vm0 =	vge.f32 v2, $0.0e+00;
	v5 =	vor.u32 $0x1, v1  }
0x1f9: {  	s28 =	sadd.s32 $0x10, s28;
	v2 =	vsel vm0, v4, v3  }
0x1fa: {  	v3 =	vor.u32 $0x2, v1;
	[tilespmem:s28+$0x0] =	vst v2  }
0x1fb: {  	v2 =	vld.idx.msk [tilespmem:v1+s12+$0x0], $0xffff  }
0x1fc: {  	v6 =	vor.u32 $0x3, v1;
	v32 =	vld.idx.msk [tilespmem:v1+s11+$0x0], $0xffff  }
0x1fd: {  	v7 =	vld.idx.msk [tilespmem:v5+s12+$0x0], $0xffff  }
0x1fe: {  	v8 =	vor.u32 $0x4, v1;
	v5 =	vld.idx.msk [tilespmem:v5+s11+$0x0], $0xffff  }
0x1ff: {  	v9 =	vld.idx.msk [tilespmem:v3+s12+$0x0], $0xffff  }
0x200: {  	v10 =	vor.u32 $0x5, v1;
	v3 =	vld.idx.msk [tilespmem:v3+s11+$0x0], $0xffff  }
0x201: {  	v11 =	vld.idx.msk [tilespmem:v6+s12+$0x0], $0xffff;
	v2 =	vmul.f32 v2, v32  }
0x202: {  	v34 =	vor.u32 $0x6, v1;
	v33 =	vld.idx.msk [tilespmem:v6+s11+$0x0], $0xffff  }
0x203: {  	v12 =	vld.idx.msk [tilespmem:v8+s12+$0x0], $0xffff;
	v5 =	vmul.f32 v7, v5;
	v2 =	vadd.f32 $0.0e+00, v2  }
0x204: {  	v36 =	vor.u32 $0x7, v1;
	v35 =	vld.idx.msk [tilespmem:v8+s11+$0x0], $0xffff  }
0x205: {  	v13 =	vld.idx.msk [tilespmem:v10+s12+$0x0], $0xffff;
	v3 =	vmul.f32 v9, v3;
	v2 =	vadd.f32 v5, v2  }
0x206: {  	v38 =	vor.u32 $0x8, v1;
	v37 =	vld.idx.msk [tilespmem:v10+s11+$0x0], $0xffff  }
0x207: {  	v39 =	vld.idx.msk [tilespmem:v34+s12+$0x0], $0xffff;
	v2 =	vadd.f32 v3, v2;
	v3 =	vmul.f32 v11, v33  }
0x208: {  	v41 =	vor.u32 $0x9, v1;
	v40 =	vld.idx.msk [tilespmem:v34+s11+$0x0], $0xffff  }
0x209: {  	v42 =	vld.idx.msk [tilespmem:v36+s12+$0x0], $0xffff;
	v2 =	vadd.f32 v3, v2;
	v3 =	vmul.f32 v12, v35  }
0x20a: {  	v44 =	vor.u32 $0xA, v1;
	v43 =	vld.idx.msk [tilespmem:v36+s11+$0x0], $0xffff  }
0x20b: {  	v45 =	vld.idx.msk [tilespmem:v38+s12+$0x0], $0xffff;
	v2 =	vadd.f32 v3, v2;
	v3 =	vmul.f32 v13, v37  }
0x20c: {  	v47 =	vor.u32 $0xB, v1;
	v46 =	vld.idx.msk [tilespmem:v38+s11+$0x0], $0xffff  }
0x20d: {  	v48 =	vld.idx.msk [tilespmem:v41+s12+$0x0], $0xffff;
	v2 =	vadd.f32 v3, v2;
	v3 =	vmul.f32 v39, v40  }
0x20e: {  	v50 =	vor.u32 $0xC, v1;
	v49 =	vld.idx.msk [tilespmem:v41+s11+$0x0], $0xffff  }
0x20f: {  	v51 =	vld.idx.msk [tilespmem:v44+s12+$0x0], $0xffff;
	v2 =	vadd.f32 v3, v2;
	v3 =	vmul.f32 v42, v43  }
0x210: {  	v53 =	vor.u32 $0xD, v1;
	v52 =	vld.idx.msk [tilespmem:v44+s11+$0x0], $0xffff  }
0x211: {  	v54 =	vld.idx.msk [tilespmem:v47+s12+$0x0], $0xffff;
	v2 =	vadd.f32 v3, v2;
	v3 =	vmul.f32 v45, v46  }
0x212: {  	v56 =	vor.u32 $0xE, v1;
	v55 =	vld.idx.msk [tilespmem:v47+s11+$0x0], $0xffff  }
0x213: {  	v57 =	vld.idx.msk [tilespmem:v50+s12+$0x0], $0xffff;
	v2 =	vadd.f32 v3, v2;
	v3 =	vmul.f32 v48, v49  }
0x214: {  	v59 =	vor.u32 $0xF, v1;
	v58 =	vld.idx.msk [tilespmem:v50+s11+$0x0], $0xffff  }
0x215: {  	v60 =	vld.idx.msk [tilespmem:v53+s12+$0x0], $0xffff;
	v2 =	vadd.f32 v3, v2;
	v3 =	vmul.f32 v51, v52  }
0x216: {  	v62 =	vor.u32 $0x10, v1;
	v61 =	vld.idx.msk [tilespmem:v53+s11+$0x0], $0xffff  }
0x217: {  	v63 =	vld.idx.msk [tilespmem:v56+s12+$0x0], $0xffff;
	v2 =	vadd.f32 v3, v2;
	v3 =	vmul.f32 v54, v55  }
0x218: {  	v17 =	vor.u32 $0x11, v1;
	v16 =	vld.idx.msk [tilespmem:v56+s11+$0x0], $0xffff  }
0x219: {  	v18 =	vld.idx.msk [tilespmem:v59+s12+$0x0], $0xffff;
	v2 =	vadd.f32 v3, v2;
	v3 =	vmul.f32 v57, v58  }
0x21a: {  	v20 =	vor.u32 $0x12, v1;
	v19 =	vld.idx.msk [tilespmem:v59+s11+$0x0], $0xffff  }
0x21b: {  	v21 =	vld.idx.msk [tilespmem:v62+s12+$0x0], $0xffff;
	v2 =	vadd.f32 v3, v2;
	v3 =	vmul.f32 v60, v61  }
0x21c: {  	v23 =	vor.u32 $0x13, v1;
	v22 =	vld.idx.msk [tilespmem:v62+s11+$0x0], $0xffff  }
0x21d: {  	v24 =	vld.idx.msk [tilespmem:v17+s12+$0x0], $0xffff;
	v2 =	vadd.f32 v3, v2;
	v3 =	vmul.f32 v63, v16  }
0x21e: {  	v26 =	vor.u32 $0x14, v1;
	v25 =	vld.idx.msk [tilespmem:v17+s11+$0x0], $0xffff  }
0x21f: {  	v27 =	vld.idx.msk [tilespmem:v20+s12+$0x0], $0xffff;
	v2 =	vadd.f32 v3, v2;
	v3 =	vmul.f32 v18, v19  }
0x220: {  	v29 =	vor.u32 $0x15, v1;
	v28 =	vld.idx.msk [tilespmem:v20+s11+$0x0], $0xffff  }
0x221: {  	v30 =	vld.idx.msk [tilespmem:v23+s12+$0x0], $0xffff;
	v2 =	vadd.f32 v3, v2;
	v3 =	vmul.f32 v21, v22  }
0x222: {  	v31 =	vld.idx.msk [tilespmem:v23+s11+$0x0], $0xffff;
	v32 =	vor.u32 $0x16, v1  }
0x223: {  	v34 =	vld.idx.msk [tilespmem:v26+s11+$0x0], $0xffff;
	v2 =	vadd.f32 v3, v2;
	v3 =	vmul.f32 v24, v25  }
0x224: {  	v33 =	vld.idx.msk [tilespmem:v26+s12+$0x0], $0xffff;
	v35 =	vor.u32 $0x17, v1  }
0x225: {  	v36 =	vld.idx.msk [tilespmem:v29+s12+$0x0], $0xffff;
	v2 =	vadd.f32 v3, v2;
	v3 =	vmul.f32 v27, v28  }
0x226: {  	v38 =	vor.u32 $0x18, v1;
	v37 =	vld.idx.msk [tilespmem:v29+s11+$0x0], $0xffff  }
0x227: {  	v39 =	vld.idx.msk [tilespmem:v32+s12+$0x0], $0xffff;
	v2 =	vadd.f32 v3, v2;
	v3 =	vmul.f32 v30, v31  }
0x228: {  	v41 =	vor.u32 $0x19, v1;
	v40 =	vld.idx.msk [tilespmem:v32+s11+$0x0], $0xffff  }
0x229: {  	v42 =	vld.idx.msk [tilespmem:v35+s12+$0x0], $0xffff;
	v2 =	vadd.f32 v3, v2;
	v3 =	vmul.f32 v33, v34  }
0x22a: {  	v44 =	vor.u32 $0x1A, v1;
	v43 =	vld.idx.msk [tilespmem:v35+s11+$0x0], $0xffff  }
0x22b: {  	v45 =	vld.idx.msk [tilespmem:v38+s12+$0x0], $0xffff;
	v2 =	vadd.f32 v3, v2;
	v3 =	vmul.f32 v36, v37  }
0x22c: {  	v47 =	vor.u32 $0x1B, v1;
	v46 =	vld.idx.msk [tilespmem:v38+s11+$0x0], $0xffff  }
0x22d: {  	v48 =	vld.idx.msk [tilespmem:v41+s12+$0x0], $0xffff;
	v2 =	vadd.f32 v3, v2;
	v3 =	vmul.f32 v39, v40  }
0x22e: {  	v50 =	vor.u32 $0x1C, v1;
	v49 =	vld.idx.msk [tilespmem:v41+s11+$0x0], $0xffff  }
0x22f: {  	v51 =	vld.idx.msk [tilespmem:v44+s12+$0x0], $0xffff;
	v2 =	vadd.f32 v3, v2;
	v3 =	vmul.f32 v42, v43  }
0x230: {  	v53 =	vor.u32 $0x1D, v1;
	v52 =	vld.idx.msk [tilespmem:v44+s11+$0x0], $0xffff  }
0x231: {  	v54 =	vld.idx.msk [tilespmem:v47+s12+$0x0], $0xffff;
	v2 =	vadd.f32 v3, v2;
	v3 =	vmul.f32 v45, v46  }
0x232: {  	v56 =	vor.u32 $0x1E, v1;
	v55 =	vld.idx.msk [tilespmem:v47+s11+$0x0], $0xffff  }
0x233: {  	v57 =	vld.idx.msk [tilespmem:v50+s12+$0x0], $0xffff;
	v2 =	vadd.f32 v3, v2;
	v3 =	vmul.f32 v48, v49  }
0x234: {  	v59 =	vor.u32 $0x1F, v1;
	v58 =	vld.idx.msk [tilespmem:v50+s11+$0x0], $0xffff  }
0x235: {  	v60 =	vld.idx.msk [tilespmem:v53+s12+$0x0], $0xffff;
	v2 =	vadd.f32 v3, v2;
	v3 =	vmul.f32 v51, v52  }
0x236: {  	v62 =	vor.u32 $0x20, v1;
	v61 =	vld.idx.msk [tilespmem:v53+s11+$0x0], $0xffff  }
0x237: {  	v63 =	vld.idx.msk [tilespmem:v56+s12+$0x0], $0xffff;
	v2 =	vadd.f32 v3, v2;
	v3 =	vmul.f32 v54, v55  }
0x238: {  	v17 =	vor.u32 $0x21, v1;
	v16 =	vld.idx.msk [tilespmem:v56+s11+$0x0], $0xffff  }
0x239: {  	v18 =	vld.idx.msk [tilespmem:v59+s12+$0x0], $0xffff;
	v2 =	vadd.f32 v3, v2;
	v3 =	vmul.f32 v57, v58  }
0x23a: {  	v20 =	vor.u32 $0x22, v1;
	v19 =	vld.idx.msk [tilespmem:v59+s11+$0x0], $0xffff  }
0x23b: {  	v21 =	vld.idx.msk [tilespmem:v62+s12+$0x0], $0xffff;
	v2 =	vadd.f32 v3, v2;
	v3 =	vmul.f32 v60, v61  }
0x23c: {  	v23 =	vor.u32 $0x23, v1;
	v22 =	vld.idx.msk [tilespmem:v62+s11+$0x0], $0xffff  }
0x23d: {  	v24 =	vld.idx.msk [tilespmem:v17+s12+$0x0], $0xffff;
	v2 =	vadd.f32 v3, v2;
	v3 =	vmul.f32 v63, v16  }
0x23e: {  	v26 =	vor.u32 $0x24, v1;
	v25 =	vld.idx.msk [tilespmem:v17+s11+$0x0], $0xffff  }
0x23f: {  	v27 =	vld.idx.msk [tilespmem:v20+s12+$0x0], $0xffff;
	v2 =	vadd.f32 v3, v2;
	v3 =	vmul.f32 v18, v19  }
0x240: {  	v29 =	vor.u32 $0x25, v1;
	v28 =	vld.idx.msk [tilespmem:v20+s11+$0x0], $0xffff  }
0x241: {  	v30 =	vld.idx.msk [tilespmem:v23+s12+$0x0], $0xffff;
	v2 =	vadd.f32 v3, v2;
	v3 =	vmul.f32 v21, v22  }
0x242: {  	v32 =	vor.u32 $0x26, v1;
	v31 =	vld.idx.msk [tilespmem:v23+s11+$0x0], $0xffff  }
0x243: {  	v33 =	vld.idx.msk [tilespmem:v26+s12+$0x0], $0xffff;
	v2 =	vadd.f32 v3, v2;
	v3 =	vmul.f32 v24, v25  }
0x244: {  	v35 =	vor.u32 $0x27, v1;
	v34 =	vld.idx.msk [tilespmem:v26+s11+$0x0], $0xffff  }
0x245: {  	v36 =	vld.idx.msk [tilespmem:v29+s12+$0x0], $0xffff;
	v2 =	vadd.f32 v3, v2;
	v3 =	vmul.f32 v27, v28  }
0x246: {  	v38 =	vor.u32 $0x28, v1;
	v37 =	vld.idx.msk [tilespmem:v29+s11+$0x0], $0xffff  }
0x247: {  	v39 =	vld.idx.msk [tilespmem:v32+s12+$0x0], $0xffff;
	v2 =	vadd.f32 v3, v2;
	v3 =	vmul.f32 v30, v31  }
0x248: {  	v41 =	vor.u32 $0x29, v1;
	v40 =	vld.idx.msk [tilespmem:v32+s11+$0x0], $0xffff  }
0x249: {  	v42 =	vld.idx.msk [tilespmem:v35+s12+$0x0], $0xffff;
	v2 =	vadd.f32 v3, v2;
	v3 =	vmul.f32 v33, v34  }
0x24a: {  	v44 =	vor.u32 $0x2A, v1;
	v43 =	vld.idx.msk [tilespmem:v35+s11+$0x0], $0xffff  }
0x24b: {  	v45 =	vld.idx.msk [tilespmem:v38+s12+$0x0], $0xffff;
	v2 =	vadd.f32 v3, v2;
	v3 =	vmul.f32 v36, v37  }
0x24c: {  	v47 =	vor.u32 $0x2B, v1;
	v46 =	vld.idx.msk [tilespmem:v38+s11+$0x0], $0xffff  }
0x24d: {  	v48 =	vld.idx.msk [tilespmem:v41+s12+$0x0], $0xffff;
	v2 =	vadd.f32 v3, v2;
	v3 =	vmul.f32 v39, v40  }
0x24e: {  	v50 =	vor.u32 $0x2C, v1;
	v49 =	vld.idx.msk [tilespmem:v41+s11+$0x0], $0xffff  }
0x24f: {  	v51 =	vld.idx.msk [tilespmem:v44+s12+$0x0], $0xffff;
	v2 =	vadd.f32 v3, v2;
	v3 =	vmul.f32 v42, v43  }
0x250: {  	v53 =	vor.u32 $0x2D, v1;
	v52 =	vld.idx.msk [tilespmem:v44+s11+$0x0], $0xffff  }
0x251: {  	v54 =	vld.idx.msk [tilespmem:v47+s12+$0x0], $0xffff;
	v2 =	vadd.f32 v3, v2;
	v3 =	vmul.f32 v45, v46  }
0x252: {  	v56 =	vor.u32 $0x2E, v1;
	v55 =	vld.idx.msk [tilespmem:v47+s11+$0x0], $0xffff  }
0x253: {  	v57 =	vld.idx.msk [tilespmem:v50+s12+$0x0], $0xffff;
	v2 =	vadd.f32 v3, v2;
	v3 =	vmul.f32 v48, v49  }
0x254: {  	v59 =	vor.u32 $0x2F, v1;
	v58 =	vld.idx.msk [tilespmem:v50+s11+$0x0], $0xffff  }
0x255: {  	v60 =	vld.idx.msk [tilespmem:v53+s12+$0x0], $0xffff;
	v2 =	vadd.f32 v3, v2;
	v3 =	vmul.f32 v51, v52  }
0x256: {  	v62 =	vor.u32 $0x30, v1;
	v61 =	vld.idx.msk [tilespmem:v53+s11+$0x0], $0xffff  }
0x257: {  	v63 =	vld.idx.msk [tilespmem:v56+s12+$0x0], $0xffff;
	v2 =	vadd.f32 v3, v2;
	v3 =	vmul.f32 v54, v55  }
0x258: {  	v17 =	vor.u32 $0x31, v1;
	v16 =	vld.idx.msk [tilespmem:v56+s11+$0x0], $0xffff  }
0x259: {  	v18 =	vld.idx.msk [tilespmem:v59+s12+$0x0], $0xffff;
	v2 =	vadd.f32 v3, v2;
	v3 =	vmul.f32 v57, v58  }
0x25a: {  	v20 =	vor.u32 $0x32, v1;
	v19 =	vld.idx.msk [tilespmem:v59+s11+$0x0], $0xffff  }
0x25b: {  	v21 =	vld.idx.msk [tilespmem:v62+s12+$0x0], $0xffff;
	v2 =	vadd.f32 v3, v2;
	v3 =	vmul.f32 v60, v61  }
0x25c: {  	v23 =	vor.u32 $0x33, v1;
	v22 =	vld.idx.msk [tilespmem:v62+s11+$0x0], $0xffff  }
0x25d: {  	v24 =	vld.idx.msk [tilespmem:v17+s12+$0x0], $0xffff;
	v2 =	vadd.f32 v3, v2;
	v3 =	vmul.f32 v63, v16  }
0x25e: {  	v26 =	vor.u32 $0x34, v1;
	v25 =	vld.idx.msk [tilespmem:v17+s11+$0x0], $0xffff  }
0x25f: {  	v27 =	vld.idx.msk [tilespmem:v20+s12+$0x0], $0xffff;
	v2 =	vadd.f32 v3, v2;
	v3 =	vmul.f32 v18, v19  }
0x260: {  	v29 =	vor.u32 $0x35, v1;
	v28 =	vld.idx.msk [tilespmem:v20+s11+$0x0], $0xffff  }
0x261: {  	v30 =	vld.idx.msk [tilespmem:v23+s12+$0x0], $0xffff;
	v2 =	vadd.f32 v3, v2;
	v3 =	vmul.f32 v21, v22  }
0x262: {  	v32 =	vor.u32 $0x36, v1;
	v31 =	vld.idx.msk [tilespmem:v23+s11+$0x0], $0xffff  }
0x263: {  	v33 =	vld.idx.msk [tilespmem:v26+s12+$0x0], $0xffff;
	v2 =	vadd.f32 v3, v2;
	v3 =	vmul.f32 v24, v25  }
0x264: {  	v35 =	vor.u32 $0x37, v1;
	v34 =	vld.idx.msk [tilespmem:v26+s11+$0x0], $0xffff  }
0x265: {  	v36 =	vld.idx.msk [tilespmem:v29+s12+$0x0], $0xffff;
	v2 =	vadd.f32 v3, v2;
	v3 =	vmul.f32 v27, v28  }
0x266: {  	v38 =	vor.u32 $0x38, v1;
	v37 =	vld.idx.msk [tilespmem:v29+s11+$0x0], $0xffff  }
0x267: {  	v39 =	vld.idx.msk [tilespmem:v32+s12+$0x0], $0xffff;
	v2 =	vadd.f32 v3, v2;
	v3 =	vmul.f32 v30, v31  }
0x268: {  	v41 =	vor.u32 $0x39, v1;
	v40 =	vld.idx.msk [tilespmem:v32+s11+$0x0], $0xffff  }
0x269: {  	v42 =	vld.idx.msk [tilespmem:v35+s12+$0x0], $0xffff;
	v2 =	vadd.f32 v3, v2;
	v3 =	vmul.f32 v33, v34  }
0x26a: {  	v44 =	vor.u32 $0x3A, v1;
	v43 =	vld.idx.msk [tilespmem:v35+s11+$0x0], $0xffff  }
0x26b: {  	v45 =	vld.idx.msk [tilespmem:v38+s12+$0x0], $0xffff;
	v2 =	vadd.f32 v3, v2;
	v3 =	vmul.f32 v36, v37  }
0x26c: {  	v47 =	vor.u32 $0x3B, v1;
	v46 =	vld.idx.msk [tilespmem:v38+s11+$0x0], $0xffff  }
0x26d: {  	v48 =	vld.idx.msk [tilespmem:v41+s12+$0x0], $0xffff;
	v2 =	vadd.f32 v3, v2;
	v3 =	vmul.f32 v39, v40  }
0x26e: {  	v50 =	vor.u32 $0x3C, v1;
	v49 =	vld.idx.msk [tilespmem:v41+s11+$0x0], $0xffff  }
0x26f: {  	v51 =	vld.idx.msk [tilespmem:v44+s12+$0x0], $0xffff;
	v2 =	vadd.f32 v3, v2;
	v3 =	vmul.f32 v42, v43  }
0x270: {  	v53 =	vor.u32 $0x3D, v1;
	v52 =	vld.idx.msk [tilespmem:v44+s11+$0x0], $0xffff  }
0x271: {  	v54 =	vld.idx.msk [tilespmem:v47+s12+$0x0], $0xffff;
	v2 =	vadd.f32 v3, v2;
	v3 =	vmul.f32 v45, v46  }
0x272: {  	v56 =	vor.u32 $0x3E, v1;
	v55 =	vld.idx.msk [tilespmem:v47+s11+$0x0], $0xffff  }
0x273: {  	v57 =	vld.idx.msk [tilespmem:v50+s12+$0x0], $0xffff;
	v2 =	vadd.f32 v3, v2;
	v3 =	vmul.f32 v48, v49  }
0x274: {  	v1 =	vor.u32 $0x3F, v1;
	v58 =	vld.idx.msk [tilespmem:v50+s11+$0x0], $0xffff  }
0x275: {  	v59 =	vld.idx.msk [tilespmem:v53+s12+$0x0], $0xffff;
	v2 =	vadd.f32 v3, v2;
	v3 =	vmul.f32 v51, v52  }
0x276: {  	v60 =	vld.idx.msk [tilespmem:v53+s11+$0x0], $0xffff  }
0x277: {  	v62 =	vld.idx.msk [tilespmem:v56+s11+$0x0], $0xffff;
	v2 =	vadd.f32 v3, v2;
	v3 =	vmul.f32 v54, v55  }
0x278: {  	v61 =	vld.idx.msk [tilespmem:v56+s12+$0x0], $0xffff  }
0x279: {  	v63 =	vld.idx.msk [tilespmem:v1+s12+$0x0], $0xffff;
	v2 =	vadd.f32 v3, v2;
	v3 =	vmul.f32 v57, v58  }
0x27a: {  	v1 =	vld.idx.msk [tilespmem:v1+s11+$0x0], $0xffff  }
0x27b: {  	v2 =	vadd.f32 v3, v2;
	v3 =	vmul.f32 v59, v60;
	_ =	sdelay $0x1  }
0x27c: {  	v2 =	vadd.f32 v3, v2;
	v3 =	vmul.f32 v61, v62;
	_ =	sdelay $0x1  }
0x27d: {  	v1 =	vmul.f32 v63, v1;
	v2 =	vadd.f32 v3, v2;
	_ =	sdelay $0x1  }
0x27e: {  	v1 =	vadd.f32 v1, v2;
	_ =	sdelay $0x1  }
0x27f: {  	v2 =	vand.u32 $0x7FFFFFFF, v1  }
0x280: {  	v2 =	vsub.f32 $0.0e+00, v2;
	_ =	sdelay $0x1  }
0x281: {  	v2 =	vmul.f32 $1.442695020e+00, v2;
	_ =	sdelay $0x1  }
0x282: {  	(erf) = vpow2.f32 v2;
	_ =	sdelay $0x8  }
0x283: {  	v2 =	vpop (erf)  }
0x284: {  	v3 =	vadd.f32 $1.000000000e+00, v2;
	_ =	sdelay $0x1  }
0x285: {  	(erf) = vrcp.f32 v3;
	_ =	sdelay $0x8  }
0x286: {  	v3 =	vpop (erf)  }
0x287: {  	v2 =	vmul.f32 v3, v2  }
0x288: {  	s26 =	sadd.s32 $0x1, s26;
	vm15 =	vge.f32 v1, $0.0e+00  }
0x289: {  	p0 =	sne.s32 s26, s7;
	s28 =	sadd.s32 $0x10, s28;
	v1 =	vsel vm15, v3, v2  }
.Ltmp1:
0x28a: {  	[tilespmem:s28+$0x0] =	vst v1;
	(pc) =	sbr.rel @p0 .LBB2_1-.Ltmp1, $4  }
0x28b: {  	[hbm4b:s6+s2] =	stream.linear.scatter [tilespmem:s25], [sflag:$0x2], $0x200, $0x38;
	[tilespmem:$0x10600] =	vst v63  }
0x28c: {  	_ =	swait.ge [sflag:s8], $0x200  }
0x28d: {  	[sflag:s8] =	ssyncset.done $0x0  }
0x28e: {  	[sflag:s8] =	ssyncadd.s32 $0xFFFFFE00  }
0x28f: {  	_ =	sfence.sel $0x180000  }
0x290: {  	[bflag:$0x0] =	sbarrier.arrive $0xFFFF  }
0x291: {  	p0 =	sne.s32 s1, $0x0;
	_ =	strace $0x90000047  }
0x292: {  	s0 =	sadd.s32 @!p0 $0x100000, s0;
	[bflag:$0x2] =	sbarrier.arrive $0xFFFF  }
0x293: {  	[sflag:s0] =	ssyncadd.tile.s32 @!p0 $0x1;
	_ =	shalt  }
.Lfunc_end2:
_tile_overlayer_lowered:
.L_overlay_start_2:
0x294: {  	(tag) =	ssettag $0x2  }
0x295: {  	s0 =	rddreg [dreg:$0x0];
	s2 =	stileid.u32  }
0x296: {  	s1 =	rddreg [dreg:$0x1];
	p0 =	sne.s32 s2, $0x0  }
0x297: {  	s3 =	rddreg [dreg:$0x2];
	[bflag:$0x3] =	sbarrier.arrive $0xFFFF;
	s2 =	simm.s32 @!p0 $0x1C02  }
0x298: {  	[timem:s3], [sflag:s2] =	dma.local @!p0 [hbm:s0], s1  }
0x299: {  	s0 =	simm.s32 @!p0 $0x2  }
0x29a: {  	_ =	swait.ge @!p0 [sflag:s0], s1  }
0x29b: {  	s1 =	ssub.s32 @!p0 $0x0, s1;
	[sflag:s0] =	ssyncset.done @!p0 $0x0  }
0x29c: {  	[sflag:s0] =	ssyncadd.s32 @!p0 s1  }
0x29d: {  	[bflag:$0x3] =	sbarrier.arrive $0xFFFF  }
0x29e: {  	_ =	shalt  }

</sc_bundles>
